<compile_context>
chip_gen: v7x
topology: tpu7x:2x2x1
jax: 0.10.2.dev20260603
libtpu: 0.0.44.dev20260713+nightly
codegen_flags: <defaults>
</compile_context>

<pallas_src>
import functools

import jax
import jax.numpy as jnp
from jax import lax
from jax.experimental import pallas as pl
from jax.experimental.pallas import tpu as pltpu
from jax.experimental.pallas import tpu_sc as plsc

B = 16384
D_MLP = 128
D_GMF = 32
NROWS = 100000

_info = plsc.get_sparse_core_info()
NC, NS = _info.num_cores, _info.num_subcores
NW = NC * NS
BPW = B // NW
QR = BPW // 4
RCH = 16

_sc_mesh = plsc.VectorSubcoreMesh(core_axis_name="c", subcore_axis_name="s")


@functools.partial(
    pl.kernel,
    mesh=_sc_mesh,
    out_type=[
        jax.ShapeDtypeStruct((B, D_MLP), jnp.float32),
        jax.ShapeDtypeStruct((B, D_MLP), jnp.float32),
        jax.ShapeDtypeStruct((B, D_GMF), jnp.float32),
        jax.ShapeDtypeStruct((B, D_GMF), jnp.float32),
    ],
    scratch_types=[
        pltpu.VMEM((BPW,), jnp.int32),
        pltpu.VMEM((BPW,), jnp.int32),
        pltpu.VMEM((QR, D_MLP), jnp.float32),
        pltpu.VMEM((QR, D_MLP), jnp.float32),
        pltpu.VMEM((BPW, D_GMF), jnp.float32),
        pltpu.SemaphoreType.DMA,
        pltpu.SemaphoreType.DMA,
        pltpu.SemaphoreType.DMA,
        pltpu.SemaphoreType.DMA,
        pltpu.SemaphoreType.DMA,
    ],
)
def _sc_gather(user_hbm, item_hbm, mue_hbm, mie_hbm, gue_hbm, gie_hbm,
               mu_out, mi_out, gu_out, gi_out, idx_u, idx_i, buf_a, buf_b,
               bg, gsem_a, gsem_b, osem_a, osem_b, rsem):
    wid = lax.axis_index("s") * NC + lax.axis_index("c")
    base = wid * BPW
    pltpu.sync_copy(user_hbm.at[pl.ds(base, BPW)], idx_u)
    pltpu.sync_copy(item_hbm.at[pl.ds(base, BPW)], idx_i)

    bufs = (buf_a, buf_b)
    gsems = (gsem_a, gsem_b)
    osems = (osem_a, osem_b)
    nch = BPW // RCH

    def fire_rows(idx, tbl):
        def body(c, _):
            v = idx[pl.ds(c * RCH, RCH)]
            for r in range(RCH):
                pltpu.async_copy(tbl.at[pl.ds(v[r], 1)],
                                 bg.at[pl.ds(c * RCH + r, 1)], rsem)
            return ()
        lax.fori_loop(0, nch, body, ())

    tables = ((mue_hbm, mu_out, idx_u), (mie_hbm, mi_out, idx_i))

    for q in range(8):
        t, k = divmod(q, 4)
        tbl, out, idx = tables[t]
        b = q % 2
        if q >= 2:
            pltpu.make_async_copy(bufs[b], out.at[pl.ds(base, QR)],
                                  osems[b]).wait()
        pltpu.async_copy(tbl.at[idx.at[pl.ds(k * QR, QR)]], bufs[b],
                         gsems[b])
        if q == 0:
            fire_rows(idx_u, gue_hbm)
        elif q == 4:
            pltpu.make_async_copy(gue_hbm.at[pl.ds(0, BPW)], bg, rsem).wait()
            pltpu.sync_copy(bg, gu_out.at[pl.ds(base, BPW)])
            fire_rows(idx_i, gie_hbm)
        if q >= 1:
            pt, pk = divmod(q - 1, 4)
            pb = (q - 1) % 2
            ptbl, pout, pidx = tables[pt]
            pltpu.make_async_copy(ptbl.at[pidx.at[pl.ds(pk * QR, QR)]],
                                  bufs[pb], gsems[pb]).wait()
            pltpu.async_copy(bufs[pb],
                             pout.at[pl.ds(base + pk * QR, QR)], osems[pb])

    pltpu.make_async_copy(mie_hbm.at[idx_i.at[pl.ds(3 * QR, QR)]],
                          bufs[1], gsems[1]).wait()
    pltpu.sync_copy(bufs[1], mi_out.at[pl.ds(base + 3 * QR, QR)])
    pltpu.make_async_copy(bufs[0], mi_out.at[pl.ds(base, QR)],
                          osems[0]).wait()

    pltpu.make_async_copy(gie_hbm.at[pl.ds(0, BPW)], bg, rsem).wait()
    pltpu.sync_copy(bg, gi_out.at[pl.ds(base, BPW)])


BLK = 2048


def _mlp_body(mu, mi, gu, gi, w1a, w1b, b1, w2, b2, w3, b3,
              wpg, wpx, bp, out):
    x = jnp.dot(mu[...], w1a[...], preferred_element_type=jnp.float32)
    x = x + jnp.dot(mi[...], w1b[...], preferred_element_type=jnp.float32)
    x = jnp.maximum(x + b1[...], 0.0)
    x = jnp.maximum(
        jnp.dot(x, w2[...], preferred_element_type=jnp.float32) + b2[...], 0.0)
    x = jnp.maximum(
        jnp.dot(x, w3[...], preferred_element_type=jnp.float32) + b3[...], 0.0)
    g = gu[...] * gi[...]
    logit = (jnp.sum(g * wpg[...], axis=1)
             + jnp.sum(x * wpx[...], axis=1) + bp[0, 0])
    out[...] = 1.0 / (1.0 + jnp.exp(-logit))


def _run_mlp(mu, mi, gu, gi, w1a, w1b, b1, w2, b2, w3, b3, wpg, wpx, bp):
    grid = B // BLK
    row = lambda i: (i, 0)
    full = lambda i: (0, 0)
    return pl.pallas_call(
        _mlp_body,
        grid=(grid,),
        in_specs=[
            pl.BlockSpec((BLK, D_MLP), row),
            pl.BlockSpec((BLK, D_MLP), row),
            pl.BlockSpec((BLK, D_GMF), row),
            pl.BlockSpec((BLK, D_GMF), row),
            pl.BlockSpec((D_MLP, 128), full),
            pl.BlockSpec((D_MLP, 128), full),
            pl.BlockSpec((1, 128), full),
            pl.BlockSpec((128, 64), full),
            pl.BlockSpec((1, 64), full),
            pl.BlockSpec((64, 32), full),
            pl.BlockSpec((1, 32), full),
            pl.BlockSpec((1, 32), full),
            pl.BlockSpec((1, 32), full),
            pl.BlockSpec((1, 1), full),
        ],
        out_specs=pl.BlockSpec((BLK,), lambda i: (i,)),
        out_shape=jax.ShapeDtypeStruct((B,), jnp.float32),
    )(mu, mi, gu, gi, w1a, w1b, b1, w2, b2, w3, b3, wpg, wpx, bp)


def kernel(user, item, gmf_user_emb, gmf_item_emb, mlp_user_emb, mlp_item_emb,
           W1, b1, W2, b2, W3, b3, Wp, bp):
    user = user.astype(jnp.int32)
    item = item.astype(jnp.int32)
    mu, mi, gu, gi = _sc_gather(user, item, mlp_user_emb, mlp_item_emb,
                                gmf_user_emb, gmf_item_emb)
    w1t = W1.T
    w1a, w1b = w1t[:D_MLP], w1t[D_MLP:]
    wpg = Wp[:, :D_GMF]
    wpx = Wp[:, D_GMF:]
    return _run_mlp(mu, mi, gu, gi, w1a, w1b, b1.reshape(1, -1),
                    W2.T, b2.reshape(1, -1), W3.T, b3.reshape(1, -1),
                    wpg, wpx, bp.reshape(1, 1))

# --- scband reference (transcript-rebuilt; emitter-appended) ---
"""Pipeline reference for scband-neu-mf-torch-23098334118451 (READ-ONLY COPY).

The authoritative reference and input builder live on the scoring server;
editing this copy changes nothing except your own understanding.
"""

import jax, jax.numpy as jnp
import numpy as np

NUM_USERS = 100000
NUM_ITEMS = 100000
NUM_FACTORS = 32
LAYERS = [256, 128, 64, 32]
BATCH = 16384


def setup_inputs(seed: int = 0) -> dict:
    key = jax.random.key(seed)
    ks = jax.random.split(key, 16)
    user = jax.random.randint(ks[0], (BATCH,), 0, NUM_USERS)
    item = jax.random.randint(ks[1], (BATCH,), 0, NUM_ITEMS)
    # GMF embeddings (init std=0.01 like torch)
    gmf_user_emb = 0.01 * jax.random.normal(ks[2], (NUM_USERS, NUM_FACTORS), dtype=jnp.float32)
    gmf_item_emb = 0.01 * jax.random.normal(ks[3], (NUM_ITEMS, NUM_FACTORS), dtype=jnp.float32)
    # MLP embeddings: dim = layers[0] // 2 = 128
    mlp_user_emb = 0.01 * jax.random.normal(ks[4], (NUM_USERS, LAYERS[0] // 2), dtype=jnp.float32)
    mlp_item_emb = 0.01 * jax.random.normal(ks[5], (NUM_ITEMS, LAYERS[0] // 2), dtype=jnp.float32)
    # MLP tower linears (torch Linear convention: weight [out, in])
    def xavier(k, out_d, in_d):
        limit = np.sqrt(6.0 / (in_d + out_d))
        return jax.random.uniform(k, (out_d, in_d), dtype=jnp.float32, minval=-limit, maxval=limit)
    W1 = xavier(ks[6], LAYERS[1], LAYERS[0])
    b1 = jnp.zeros((LAYERS[1],), dtype=jnp.float32)
    W2 = xavier(ks[7], LAYERS[2], LAYERS[1])
    b2 = jnp.zeros((LAYERS[2],), dtype=jnp.float32)
    W3 = xavier(ks[8], LAYERS[3], LAYERS[2])
    b3 = jnp.zeros((LAYERS[3],), dtype=jnp.float32)
    # final NeuMF predict layer: in = num_factors * 2 = 64, out = 1
    Wp = 0.01 * jax.random.normal(ks[9], (1, NUM_FACTORS * 2), dtype=jnp.float32)
    bp = jnp.zeros((1,), dtype=jnp.float32)
    return {
        "user": user, "item": item,
        "gmf_user_emb": gmf_user_emb, "gmf_item_emb": gmf_item_emb,
        "mlp_user_emb": mlp_user_emb, "mlp_item_emb": mlp_item_emb,
        "W1": W1, "b1": b1, "W2": W2, "b2": b2, "W3": W3, "b3": b3,
        "Wp": Wp, "bp": bp,
    }


def reference(user, item, gmf_user_emb, gmf_item_emb, mlp_user_emb, mlp_item_emb,
              W1, b1, W2, b2, W3, b3, Wp, bp):
    # GMF branch (use_NeuMF=True -> returns elementwise product)
    gu = jnp.take(gmf_user_emb, user, axis=0)
    gi = jnp.take(gmf_item_emb, item, axis=0)
    gmf_out = gu * gi  # [B, num_factors]
    # MLP branch
    mu = jnp.take(mlp_user_emb, user, axis=0)
    mi = jnp.take(mlp_item_emb, item, axis=0)
    x = jnp.concatenate([mu, mi], axis=-1)  # [B, layers[0]]
    x = jax.nn.relu(x @ W1.T + b1)
    x = jax.nn.relu(x @ W2.T + b2)
    x = jax.nn.relu(x @ W3.T + b3)  # [B, num_factors]
    # NeuMF head
    h = jnp.concatenate([gmf_out, x], axis=-1)  # [B, 2*num_factors]
    out = jax.nn.sigmoid(h @ Wp.T + bp)
    return out.reshape(-1)

if __name__ == "__main__":
    import jax
    _d = setup_inputs()
    print(jax.jit(kernel)(*tuple(_d.values())))

</pallas_src>

<mosaic_0001>
#map = affine_map<(d0, d1) -> (0)>
#map1 = affine_map<(d0, d1) -> (0, 0)>
module attributes {stable_mosaic.version = 14 : i64} {
  func.func @_sc_gather(%arg0: i32, %arg1: i32, %arg2: memref<16384xi32, #tpu.memory_space<hbm>>, %arg3: memref<16384xi32, #tpu.memory_space<hbm>>, %arg4: memref<100000x128xf32, #tpu.memory_space<hbm>>, %arg5: memref<100000x128xf32, #tpu.memory_space<hbm>>, %arg6: memref<100000x32xf32, #tpu.memory_space<hbm>>, %arg7: memref<100000x32xf32, #tpu.memory_space<hbm>>, %arg8: memref<16384x128xf32, #tpu.memory_space<hbm>>, %arg9: memref<16384x128xf32, #tpu.memory_space<hbm>>, %arg10: memref<16384x32xf32, #tpu.memory_space<hbm>>, %arg11: memref<16384x32xf32, #tpu.memory_space<hbm>>, %arg12: memref<512xi32, #tpu.memory_space<vmem>>, %arg13: memref<512xi32, #tpu.memory_space<vmem>>, %arg14: memref<128x128xf32, #tpu.memory_space<vmem>>, %arg15: memref<128x128xf32, #tpu.memory_space<vmem>>, %arg16: memref<512x32xf32, #tpu.memory_space<vmem>>, %arg17: memref<!tpu.dma_semaphore, #tpu.memory_space<semaphore_mem>>, %arg18: memref<!tpu.dma_semaphore, #tpu.memory_space<semaphore_mem>>, %arg19: memref<!tpu.dma_semaphore, #tpu.memory_space<semaphore_mem>>, %arg20: memref<!tpu.dma_semaphore, #tpu.memory_space<semaphore_mem>>, %arg21: memref<!tpu.dma_semaphore, #tpu.memory_space<semaphore_mem>>) attributes {dimension_semantics = [#tpu.dimension_semantics<core_parallel>, #tpu.dimension_semantics<subcore_parallel>], iteration_bounds = array<i64: 2, 16>, scalar_prefetch = 0 : i64, scratch_operands = 10 : i64, tpu.core_type = #tpu.core_type<sc_vector_subcore>, window_params = [{transform_indices = #map}, {transform_indices = #map}, {transform_indices = #map1}, {transform_indices = #map1}, {transform_indices = #map1}, {transform_indices = #map1}, {transform_indices = #map1}, {transform_indices = #map1}, {transform_indices = #map1}, {transform_indices = #map1}]} {
    %mul3A = arith.constant 2 : i32
    %mul3A_0 = arith.muli %arg1, %mul3A : i32
    %add3A = arith.addi %mul3A_0, %arg0 : i32
    %mul3A_1 = arith.constant 512 : i32
    %mul3A_2 = arith.muli %add3A, %mul3A_1 : i32
    "tpu.region"() ({
      %run_scoped3A = tpu.sem_alloc : memref<!tpu.dma_semaphore, #tpu.memory_space<semaphore_mem>>
      %dma_start3A_174 = tpu.memref_slice %arg2[%mul3A_2] : memref<16384xi32, #tpu.memory_space<hbm>> -> memref<512xi32, #tpu.memory_space<hbm>>
      %dma_start3A_175 = tpu.memref_slice %arg2[%mul3A_2] : memref<16384xi32, #tpu.memory_space<hbm>> -> memref<512xi32, #tpu.memory_space<hbm>>
      tpu.enqueue_dma source(%dma_start3A_175 : memref<512xi32, #tpu.memory_space<hbm>>) target(%arg12 : memref<512xi32, #tpu.memory_space<vmem>>) target_semaphore(%run_scoped3A : memref<!tpu.dma_semaphore, #tpu.memory_space<semaphore_mem>>)
      %dma_wait3A_176 = tpu.memref_slice %arg2[%mul3A_2] : memref<16384xi32, #tpu.memory_space<hbm>> -> memref<512xi32, #tpu.memory_space<hbm>>
      %dma_wait3A_177 = tpu.memref_slice %arg2[%mul3A_2] : memref<16384xi32, #tpu.memory_space<hbm>> -> memref<512xi32, #tpu.memory_space<hbm>>
      tpu.wait_dma2 semaphore(%run_scoped3A : memref<!tpu.dma_semaphore, #tpu.memory_space<semaphore_mem>>) src(%dma_wait3A_177 : memref<512xi32, #tpu.memory_space<hbm>>) dst(%arg12 : memref<512xi32, #tpu.memory_space<vmem>>)
      tpu.yield
    }) : () -> ()
    "tpu.region"() ({
      %run_scoped3A = tpu.sem_alloc : memref<!tpu.dma_semaphore, #tpu.memory_space<semaphore_mem>>
      %dma_start3A_174 = tpu.memref_slice %arg3[%mul3A_2] : memref<16384xi32, #tpu.memory_space<hbm>> -> memref<512xi32, #tpu.memory_space<hbm>>
      %dma_start3A_175 = tpu.memref_slice %arg3[%mul3A_2] : memref<16384xi32, #tpu.memory_space<hbm>> -> memref<512xi32, #tpu.memory_space<hbm>>
      tpu.enqueue_dma source(%dma_start3A_175 : memref<512xi32, #tpu.memory_space<hbm>>) target(%arg13 : memref<512xi32, #tpu.memory_space<vmem>>) target_semaphore(%run_scoped3A : memref<!tpu.dma_semaphore, #tpu.memory_space<semaphore_mem>>)
      %dma_wait3A_176 = tpu.memref_slice %arg3[%mul3A_2] : memref<16384xi32, #tpu.memory_space<hbm>> -> memref<512xi32, #tpu.memory_space<hbm>>
      %dma_wait3A_177 = tpu.memref_slice %arg3[%mul3A_2] : memref<16384xi32, #tpu.memory_space<hbm>> -> memref<512xi32, #tpu.memory_space<hbm>>
      tpu.wait_dma2 semaphore(%run_scoped3A : memref<!tpu.dma_semaphore, #tpu.memory_space<semaphore_mem>>) src(%dma_wait3A_177 : memref<512xi32, #tpu.memory_space<hbm>>) dst(%arg13 : memref<512xi32, #tpu.memory_space<vmem>>)
      tpu.yield
    }) : () -> ()
    %dma_start3A = arith.constant 0 : i32
    %dma_start3A_3 = tpu.memref_slice %arg12[%dma_start3A] : memref<512xi32, #tpu.memory_space<vmem>> -> memref<128xi32, #tpu.memory_space<vmem>>
    %dma_start3A_4 = arith.constant 0 : i32
    %dma_start3A_5 = arith.constant 0 : i32
    %dma_start3A_6 = tpu.memref_slice %arg4[%dma_start3A_4, %dma_start3A_5] : memref<100000x128xf32, #tpu.memory_space<hbm>> -> memref<100000x128xf32, #tpu.memory_space<hbm>>
    tpu.enqueue_indirect_dma source(%dma_start3A_6 : memref<100000x128xf32, #tpu.memory_space<hbm>>) target(%arg14 : memref<128x128xf32, #tpu.memory_space<vmem>>) offsets(%dma_start3A_3 : memref<128xi32, #tpu.memory_space<vmem>>) semaphore(%arg17 : memref<!tpu.dma_semaphore, #tpu.memory_space<semaphore_mem>>)
    %scan3A = arith.constant 0 : i32
    %scan3A_7 = arith.constant 32 : i32
    %scan3A_8 = arith.addi %scan3A, %scan3A_7 : i32
    %scan3A_9 = arith.constant 1 : i32
    scf.for %scan3A_174 = %scan3A to %scan3A_8 step %scan3A_9  : i32 {
      %mul3A_175 = arith.constant 16 : i32
      %mul3A_176 = arith.muli %scan3A_174, %mul3A_175 : i32
      %get3A = arith.index_cast %mul3A_176 : i32 to index
      %get3A_177 = tpu.vector_load %arg12[%get3A] {strides = array<i32>} : memref<512xi32, #tpu.memory_space<vmem>>, vector<16xi32>,
      %get3A_178 = vector.shape_cast %get3A_177 : vector<16xi32> to vector<16xi32>
      %slice3A = vector.extract_strided_slice %get3A_178 {offsets = [0], sizes = [1], strides = [1]} : vector<16xi32> to vector<1xi32>
      %squeeze3A = vector.extract %slice3A[0] : i32 from vector<1xi32>
      %mul3A_179 = arith.constant 16 : i32
      %mul3A_180 = arith.muli %scan3A_174, %mul3A_179 : i32
      %add3A_181 = arith.constant 0 : i32
      %add3A_182 = arith.addi %mul3A_180, %add3A_181 : i32
      %dma_start3A_183 = arith.constant 0 : i32
      %dma_start3A_184 = tpu.memref_slice %arg16[%add3A_182, %dma_start3A_183] : memref<512x32xf32, #tpu.memory_space<vmem>> -> memref<1x32xf32, #tpu.memory_space<vmem>>
      %dma_start3A_185 = arith.constant 0 : i32
      %dma_start3A_186 = tpu.memref_slice %arg6[%squeeze3A, %dma_start3A_185] : memref<100000x32xf32, #tpu.memory_space<hbm>> -> memref<1x32xf32, #tpu.memory_space<hbm>>
      %dma_start3A_187 = arith.constant 0 : i32
      %dma_start3A_188 = tpu.memref_slice %arg16[%add3A_182, %dma_start3A_187] : memref<512x32xf32, #tpu.memory_space<vmem>> -> memref<1x32xf32, #tpu.memory_space<vmem>>
      %dma_start3A_189 = arith.constant 0 : i32
      %dma_start3A_190 = tpu.memref_slice %arg6[%squeeze3A, %dma_start3A_189] : memref<100000x32xf32, #tpu.memory_space<hbm>> -> memref<1x32xf32, #tpu.memory_space<hbm>>
      tpu.enqueue_dma source(%dma_start3A_190 : memref<1x32xf32, #tpu.memory_space<hbm>>) target(%dma_start3A_188 : memref<1x32xf32, #tpu.memory_space<vmem>>) target_semaphore(%arg21 : memref<!tpu.dma_semaphore, #tpu.memory_space<semaphore_mem>>)
      %slice3A_191 = vector.extract_strided_slice %get3A_178 {offsets = [1], sizes = [1], strides = [1]} : vector<16xi32> to vector<1xi32>
      %squeeze3A_192 = vector.extract %slice3A_191[0] : i32 from vector<1xi32>
      %mul3A_193 = arith.constant 16 : i32
      %mul3A_194 = arith.muli %scan3A_174, %mul3A_193 : i32
      %add3A_195 = arith.constant 1 : i32
      %add3A_196 = arith.addi %mul3A_194, %add3A_195 : i32
      %dma_start3A_197 = arith.constant 0 : i32
      %dma_start3A_198 = tpu.memref_slice %arg16[%add3A_196, %dma_start3A_197] : memref<512x32xf32, #tpu.memory_space<vmem>> -> memref<1x32xf32, #tpu.memory_space<vmem>>
      %dma_start3A_199 = arith.constant 0 : i32
      %dma_start3A_200 = tpu.memref_slice %arg6[%squeeze3A_192, %dma_start3A_199] : memref<100000x32xf32, #tpu.memory_space<hbm>> -> memref<1x32xf32, #tpu.memory_space<hbm>>
      %dma_start3A_201 = arith.constant 0 : i32
      %dma_start3A_202 = tpu.memref_slice %arg16[%add3A_196, %dma_start3A_201] : memref<512x32xf32, #tpu.memory_space<vmem>> -> memref<1x32xf32, #tpu.memory_space<vmem>>
      %dma_start3A_203 = arith.constant 0 : i32
      %dma_start3A_204 = tpu.memref_slice %arg6[%squeeze3A_192, %dma_start3A_203] : memref<100000x32xf32, #tpu.memory_space<hbm>> -> memref<1x32xf32, #tpu.memory_space<hbm>>
      tpu.enqueue_dma source(%dma_start3A_204 : memref<1x32xf32, #tpu.memory_space<hbm>>) target(%dma_start3A_202 : memref<1x32xf32, #tpu.memory_space<vmem>>) target_semaphore(%arg21 : memref<!tpu.dma_semaphore, #tpu.memory_space<semaphore_mem>>)
      %slice3A_205 = vector.extract_strided_slice %get3A_178 {offsets = [2], sizes = [1], strides = [1]} : vector<16xi32> to vector<1xi32>
      %squeeze3A_206 = vector.extract %slice3A_205[0] : i32 from vector<1xi32>
      %mul3A_207 = arith.constant 16 : i32
      %mul3A_208 = arith.muli %scan3A_174, %mul3A_207 : i32
      %add3A_209 = arith.constant 2 : i32
      %add3A_210 = arith.addi %mul3A_208, %add3A_209 : i32
      %dma_start3A_211 = arith.constant 0 : i32
      %dma_start3A_212 = tpu.memref_slice %arg16[%add3A_210, %dma_start3A_211] : memref<512x32xf32, #tpu.memory_space<vmem>> -> memref<1x32xf32, #tpu.memory_space<vmem>>
      %dma_start3A_213 = arith.constant 0 : i32
      %dma_start3A_214 = tpu.memref_slice %arg6[%squeeze3A_206, %dma_start3A_213] : memref<100000x32xf32, #tpu.memory_space<hbm>> -> memref<1x32xf32, #tpu.memory_space<hbm>>
      %dma_start3A_215 = arith.constant 0 : i32
      %dma_start3A_216 = tpu.memref_slice %arg16[%add3A_210, %dma_start3A_215] : memref<512x32xf32, #tpu.memory_space<vmem>> -> memref<1x32xf32, #tpu.memory_space<vmem>>
      %dma_start3A_217 = arith.constant 0 : i32
      %dma_start3A_218 = tpu.memref_slice %arg6[%squeeze3A_206, %dma_start3A_217] : memref<100000x32xf32, #tpu.memory_space<hbm>> -> memref<1x32xf32, #tpu.memory_space<hbm>>
      tpu.enqueue_dma source(%dma_start3A_218 : memref<1x32xf32, #tpu.memory_space<hbm>>) target(%dma_start3A_216 : memref<1x32xf32, #tpu.memory_space<vmem>>) target_semaphore(%arg21 : memref<!tpu.dma_semaphore, #tpu.memory_space<semaphore_mem>>)
      %slice3A_219 = vector.extract_strided_slice %get3A_178 {offsets = [3], sizes = [1], strides = [1]} : vector<16xi32> to vector<1xi32>
      %squeeze3A_220 = vector.extract %slice3A_219[0] : i32 from vector<1xi32>
      %mul3A_221 = arith.constant 16 : i32
      %mul3A_222 = arith.muli %scan3A_174, %mul3A_221 : i32
      %add3A_223 = arith.constant 3 : i32
      %add3A_224 = arith.addi %mul3A_222, %add3A_223 : i32
      %dma_start3A_225 = arith.constant 0 : i32
      %dma_start3A_226 = tpu.memref_slice %arg16[%add3A_224, %dma_start3A_225] : memref<512x32xf32, #tpu.memory_space<vmem>> -> memref<1x32xf32, #tpu.memory_space<vmem>>
      %dma_start3A_227 = arith.constant 0 : i32
      %dma_start3A_228 = tpu.memref_slice %arg6[%squeeze3A_220, %dma_start3A_227] : memref<100000x32xf32, #tpu.memory_space<hbm>> -> memref<1x32xf32, #tpu.memory_space<hbm>>
      %dma_start3A_229 = arith.constant 0 : i32
      %dma_start3A_230 = tpu.memref_slice %arg16[%add3A_224, %dma_start3A_229] : memref<512x32xf32, #tpu.memory_space<vmem>> -> memref<1x32xf32, #tpu.memory_space<vmem>>
      %dma_start3A_231 = arith.constant 0 : i32
      %dma_start3A_232 = tpu.memref_slice %arg6[%squeeze3A_220, %dma_start3A_231] : memref<100000x32xf32, #tpu.memory_space<hbm>> -> memref<1x32xf32, #tpu.memory_space<hbm>>
      tpu.enqueue_dma source(%dma_start3A_232 : memref<1x32xf32, #tpu.memory_space<hbm>>) target(%dma_start3A_230 : memref<1x32xf32, #tpu.memory_space<vmem>>) target_semaphore(%arg21 : memref<!tpu.dma_semaphore, #tpu.memory_space<semaphore_mem>>)
      %slice3A_233 = vector.extract_strided_slice %get3A_178 {offsets = [4], sizes = [1], strides = [1]} : vector<16xi32> to vector<1xi32>
      %squeeze3A_234 = vector.extract %slice3A_233[0] : i32 from vector<1xi32>
      %mul3A_235 = arith.constant 16 : i32
      %mul3A_236 = arith.muli %scan3A_174, %mul3A_235 : i32
      %add3A_237 = arith.constant 4 : i32
      %add3A_238 = arith.addi %mul3A_236, %add3A_237 : i32
      %dma_start3A_239 = arith.constant 0 : i32
      %dma_start3A_240 = tpu.memref_slice %arg16[%add3A_238, %dma_start3A_239] : memref<512x32xf32, #tpu.memory_space<vmem>> -> memref<1x32xf32, #tpu.memory_space<vmem>>
      %dma_start3A_241 = arith.constant 0 : i32
      %dma_start3A_242 = tpu.memref_slice %arg6[%squeeze3A_234, %dma_start3A_241] : memref<100000x32xf32, #tpu.memory_space<hbm>> -> memref<1x32xf32, #tpu.memory_space<hbm>>
      %dma_start3A_243 = arith.constant 0 : i32
      %dma_start3A_244 = tpu.memref_slice %arg16[%add3A_238, %dma_start3A_243] : memref<512x32xf32, #tpu.memory_space<vmem>> -> memref<1x32xf32, #tpu.memory_space<vmem>>
      %dma_start3A_245 = arith.constant 0 : i32
      %dma_start3A_246 = tpu.memref_slice %arg6[%squeeze3A_234, %dma_start3A_245] : memref<100000x32xf32, #tpu.memory_space<hbm>> -> memref<1x32xf32, #tpu.memory_space<hbm>>
      tpu.enqueue_dma source(%dma_start3A_246 : memref<1x32xf32, #tpu.memory_space<hbm>>) target(%dma_start3A_244 : memref<1x32xf32, #tpu.memory_space<vmem>>) target_semaphore(%arg21 : memref<!tpu.dma_semaphore, #tpu.memory_space<semaphore_mem>>)
      %slice3A_247 = vector.extract_strided_slice %get3A_178 {offsets = [5], sizes = [1], strides = [1]} : vector<16xi32> to vector<1xi32>
      %squeeze3A_248 = vector.extract %slice3A_247[0] : i32 from vector<1xi32>
      %mul3A_249 = arith.constant 16 : i32
      %mul3A_250 = arith.muli %scan3A_174, %mul3A_249 : i32
      %add3A_251 = arith.constant 5 : i32
      %add3A_252 = arith.addi %mul3A_250, %add3A_251 : i32
      %dma_start3A_253 = arith.constant 0 : i32
      %dma_start3A_254 = tpu.memref_slice %arg16[%add3A_252, %dma_start3A_253] : memref<512x32xf32, #tpu.memory_space<vmem>> -> memref<1x32xf32, #tpu.memory_space<vmem>>
      %dma_start3A_255 = arith.constant 0 : i32
      %dma_start3A_256 = tpu.memref_slice %arg6[%squeeze3A_248, %dma_start3A_255] : memref<100000x32xf32, #tpu.memory_space<hbm>> -> memref<1x32xf32, #tpu.memory_space<hbm>>
      %dma_start3A_257 = arith.constant 0 : i32
      %dma_start3A_258 = tpu.memref_slice %arg16[%add3A_252, %dma_start3A_257] : memref<512x32xf32, #tpu.memory_space<vmem>> -> memref<1x32xf32, #tpu.memory_space<vmem>>
      %dma_start3A_259 = arith.constant 0 : i32
      %dma_start3A_260 = tpu.memref_slice %arg6[%squeeze3A_248, %dma_start3A_259] : memref<100000x32xf32, #tpu.memory_space<hbm>> -> memref<1x32xf32, #tpu.memory_space<hbm>>
      tpu.enqueue_dma source(%dma_start3A_260 : memref<1x32xf32, #tpu.memory_space<hbm>>) target(%dma_start3A_258 : memref<1x32xf32, #tpu.memory_space<vmem>>) target_semaphore(%arg21 : memref<!tpu.dma_semaphore, #tpu.memory_space<semaphore_mem>>)
      %slice3A_261 = vector.extract_strided_slice %get3A_178 {offsets = [6], sizes = [1], strides = [1]} : vector<16xi32> to vector<1xi32>
      %squeeze3A_262 = vector.extract %slice3A_261[0] : i32 from vector<1xi32>
      %mul3A_263 = arith.constant 16 : i32
      %mul3A_264 = arith.muli %scan3A_174, %mul3A_263 : i32
      %add3A_265 = arith.constant 6 : i32
      %add3A_266 = arith.addi %mul3A_264, %add3A_265 : i32
      %dma_start3A_267 = arith.constant 0 : i32
      %dma_start3A_268 = tpu.memref_slice %arg16[%add3A_266, %dma_start3A_267] : memref<512x32xf32, #tpu.memory_space<vmem>> -> memref<1x32xf32, #tpu.memory_space<vmem>>
      %dma_start3A_269 = arith.constant 0 : i32
      %dma_start3A_270 = tpu.memref_slice %arg6[%squeeze3A_262, %dma_start3A_269] : memref<100000x32xf32, #tpu.memory_space<hbm>> -> memref<1x32xf32, #tpu.memory_space<hbm>>
      %dma_start3A_271 = arith.constant 0 : i32
      %dma_start3A_272 = tpu.memref_slice %arg16[%add3A_266, %dma_start3A_271] : memref<512x32xf32, #tpu.memory_space<vmem>> -> memref<1x32xf32, #tpu.memory_space<vmem>>
      %dma_start3A_273 = arith.constant 0 : i32
      %dma_start3A_274 = tpu.memref_slice %arg6[%squeeze3A_262, %dma_start3A_273] : memref<100000x32xf32, #tpu.memory_space<hbm>> -> memref<1x32xf32, #tpu.memory_space<hbm>>
      tpu.enqueue_dma source(%dma_start3A_274 : memref<1x32xf32, #tpu.memory_space<hbm>>) target(%dma_start3A_272 : memref<1x32xf32, #tpu.memory_space<vmem>>) target_semaphore(%arg21 : memref<!tpu.dma_semaphore, #tpu.memory_space<semaphore_mem>>)
      %slice3A_275 = vector.extract_strided_slice %get3A_178 {offsets = [7], sizes = [1], strides = [1]} : vector<16xi32> to vector<1xi32>
      %squeeze3A_276 = vector.extract %slice3A_275[0] : i32 from vector<1xi32>
      %mul3A_277 = arith.constant 16 : i32
      %mul3A_278 = arith.muli %scan3A_174, %mul3A_277 : i32
      %add3A_279 = arith.constant 7 : i32
      %add3A_280 = arith.addi %mul3A_278, %add3A_279 : i32
      %dma_start3A_281 = arith.constant 0 : i32
      %dma_start3A_282 = tpu.memref_slice %arg16[%add3A_280, %dma_start3A_281] : memref<512x32xf32, #tpu.memory_space<vmem>> -> memref<1x32xf32, #tpu.memory_space<vmem>>
      %dma_start3A_283 = arith.constant 0 : i32
      %dma_start3A_284 = tpu.memref_slice %arg6[%squeeze3A_276, %dma_start3A_283] : memref<100000x32xf32, #tpu.memory_space<hbm>> -> memref<1x32xf32, #tpu.memory_space<hbm>>
      %dma_start3A_285 = arith.constant 0 : i32
      %dma_start3A_286 = tpu.memref_slice %arg16[%add3A_280, %dma_start3A_285] : memref<512x32xf32, #tpu.memory_space<vmem>> -> memref<1x32xf32, #tpu.memory_space<vmem>>
      %dma_start3A_287 = arith.constant 0 : i32
      %dma_start3A_288 = tpu.memref_slice %arg6[%squeeze3A_276, %dma_start3A_287] : memref<100000x32xf32, #tpu.memory_space<hbm>> -> memref<1x32xf32, #tpu.memory_space<hbm>>
      tpu.enqueue_dma source(%dma_start3A_288 : memref<1x32xf32, #tpu.memory_space<hbm>>) target(%dma_start3A_286 : memref<1x32xf32, #tpu.memory_space<vmem>>) target_semaphore(%arg21 : memref<!tpu.dma_semaphore, #tpu.memory_space<semaphore_mem>>)
      %slice3A_289 = vector.extract_strided_slice %get3A_178 {offsets = [8], sizes = [1], strides = [1]} : vector<16xi32> to vector<1xi32>
      %squeeze3A_290 = vector.extract %slice3A_289[0] : i32 from vector<1xi32>
      %mul3A_291 = arith.constant 16 : i32
      %mul3A_292 = arith.muli %scan3A_174, %mul3A_291 : i32
      %add3A_293 = arith.constant 8 : i32
      %add3A_294 = arith.addi %mul3A_292, %add3A_293 : i32
      %dma_start3A_295 = arith.constant 0 : i32
      %dma_start3A_296 = tpu.memref_slice %arg16[%add3A_294, %dma_start3A_295] : memref<512x32xf32, #tpu.memory_space<vmem>> -> memref<1x32xf32, #tpu.memory_space<vmem>>
      %dma_start3A_297 = arith.constant 0 : i32
      %dma_start3A_298 = tpu.memref_slice %arg6[%squeeze3A_290, %dma_start3A_297] : memref<100000x32xf32, #tpu.memory_space<hbm>> -> memref<1x32xf32, #tpu.memory_space<hbm>>
      %dma_start3A_299 = arith.constant 0 : i32
      %dma_start3A_300 = tpu.memref_slice %arg16[%add3A_294, %dma_start3A_299] : memref<512x32xf32, #tpu.memory_space<vmem>> -> memref<1x32xf32, #tpu.memory_space<vmem>>
      %dma_start3A_301 = arith.constant 0 : i32
      %dma_start3A_302 = tpu.memref_slice %arg6[%squeeze3A_290, %dma_start3A_301] : memref<100000x32xf32, #tpu.memory_space<hbm>> -> memref<1x32xf32, #tpu.memory_space<hbm>>
      tpu.enqueue_dma source(%dma_start3A_302 : memref<1x32xf32, #tpu.memory_space<hbm>>) target(%dma_start3A_300 : memref<1x32xf32, #tpu.memory_space<vmem>>) target_semaphore(%arg21 : memref<!tpu.dma_semaphore, #tpu.memory_space<semaphore_mem>>)
      %slice3A_303 = vector.extract_strided_slice %get3A_178 {offsets = [9], sizes = [1], strides = [1]} : vector<16xi32> to vector<1xi32>
      %squeeze3A_304 = vector.extract %slice3A_303[0] : i32 from vector<1xi32>
      %mul3A_305 = arith.constant 16 : i32
      %mul3A_306 = arith.muli %scan3A_174, %mul3A_305 : i32
      %add3A_307 = arith.constant 9 : i32
      %add3A_308 = arith.addi %mul3A_306, %add3A_307 : i32
      %dma_start3A_309 = arith.constant 0 : i32
      %dma_start3A_310 = tpu.memref_slice %arg16[%add3A_308, %dma_start3A_309] : memref<512x32xf32, #tpu.memory_space<vmem>> -> memref<1x32xf32, #tpu.memory_space<vmem>>
      %dma_start3A_311 = arith.constant 0 : i32
      %dma_start3A_312 = tpu.memref_slice %arg6[%squeeze3A_304, %dma_start3A_311] : memref<100000x32xf32, #tpu.memory_space<hbm>> -> memref<1x32xf32, #tpu.memory_space<hbm>>
      %dma_start3A_313 = arith.constant 0 : i32
      %dma_start3A_314 = tpu.memref_slice %arg16[%add3A_308, %dma_start3A_313] : memref<512x32xf32, #tpu.memory_space<vmem>> -> memref<1x32xf32, #tpu.memory_space<vmem>>
      %dma_start3A_315 = arith.constant 0 : i32
      %dma_start3A_316 = tpu.memref_slice %arg6[%squeeze3A_304, %dma_start3A_315] : memref<100000x32xf32, #tpu.memory_space<hbm>> -> memref<1x32xf32, #tpu.memory_space<hbm>>
      tpu.enqueue_dma source(%dma_start3A_316 : memref<1x32xf32, #tpu.memory_space<hbm>>) target(%dma_start3A_314 : memref<1x32xf32, #tpu.memory_space<vmem>>) target_semaphore(%arg21 : memref<!tpu.dma_semaphore, #tpu.memory_space<semaphore_mem>>)
      %slice3A_317 = vector.extract_strided_slice %get3A_178 {offsets = [10], sizes = [1], strides = [1]} : vector<16xi32> to vector<1xi32>
      %squeeze3A_318 = vector.extract %slice3A_317[0] : i32 from vector<1xi32>
      %mul3A_319 = arith.constant 16 : i32
      %mul3A_320 = arith.muli %scan3A_174, %mul3A_319 : i32
      %add3A_321 = arith.constant 10 : i32
      %add3A_322 = arith.addi %mul3A_320, %add3A_321 : i32
      %dma_start3A_323 = arith.constant 0 : i32
      %dma_start3A_324 = tpu.memref_slice %arg16[%add3A_322, %dma_start3A_323] : memref<512x32xf32, #tpu.memory_space<vmem>> -> memref<1x32xf32, #tpu.memory_space<vmem>>
      %dma_start3A_325 = arith.constant 0 : i32
      %dma_start3A_326 = tpu.memref_slice %arg6[%squeeze3A_318, %dma_start3A_325] : memref<100000x32xf32, #tpu.memory_space<hbm>> -> memref<1x32xf32, #tpu.memory_space<hbm>>
      %dma_start3A_327 = arith.constant 0 : i32
      %dma_start3A_328 = tpu.memref_slice %arg16[%add3A_322, %dma_start3A_327] : memref<512x32xf32, #tpu.memory_space<vmem>> -> memref<1x32xf32, #tpu.memory_space<vmem>>
      %dma_start3A_329 = arith.constant 0 : i32
      %dma_start3A_330 = tpu.memref_slice %arg6[%squeeze3A_318, %dma_start3A_329] : memref<100000x32xf32, #tpu.memory_space<hbm>> -> memref<1x32xf32, #tpu.memory_space<hbm>>
      tpu.enqueue_dma source(%dma_start3A_330 : memref<1x32xf32, #tpu.memory_space<hbm>>) target(%dma_start3A_328 : memref<1x32xf32, #tpu.memory_space<vmem>>) target_semaphore(%arg21 : memref<!tpu.dma_semaphore, #tpu.memory_space<semaphore_mem>>)
      %slice3A_331 = vector.extract_strided_slice %get3A_178 {offsets = [11], sizes = [1], strides = [1]} : vector<16xi32> to vector<1xi32>
      %squeeze3A_332 = vector.extract %slice3A_331[0] : i32 from vector<1xi32>
      %mul3A_333 = arith.constant 16 : i32
      %mul3A_334 = arith.muli %scan3A_174, %mul3A_333 : i32
      %add3A_335 = arith.constant 11 : i32
      %add3A_336 = arith.addi %mul3A_334, %add3A_335 : i32
      %dma_start3A_337 = arith.constant 0 : i32
      %dma_start3A_338 = tpu.memref_slice %arg16[%add3A_336, %dma_start3A_337] : memref<512x32xf32, #tpu.memory_space<vmem>> -> memref<1x32xf32, #tpu.memory_space<vmem>>
      %dma_start3A_339 = arith.constant 0 : i32
      %dma_start3A_340 = tpu.memref_slice %arg6[%squeeze3A_332, %dma_start3A_339] : memref<100000x32xf32, #tpu.memory_space<hbm>> -> memref<1x32xf32, #tpu.memory_space<hbm>>
      %dma_start3A_341 = arith.constant 0 : i32
      %dma_start3A_342 = tpu.memref_slice %arg16[%add3A_336, %dma_start3A_341] : memref<512x32xf32, #tpu.memory_space<vmem>> -> memref<1x32xf32, #tpu.memory_space<vmem>>
      %dma_start3A_343 = arith.constant 0 : i32
      %dma_start3A_344 = tpu.memref_slice %arg6[%squeeze3A_332, %dma_start3A_343] : memref<100000x32xf32, #tpu.memory_space<hbm>> -> memref<1x32xf32, #tpu.memory_space<hbm>>
      tpu.enqueue_dma source(%dma_start3A_344 : memref<1x32xf32, #tpu.memory_space<hbm>>) target(%dma_start3A_342 : memref<1x32xf32, #tpu.memory_space<vmem>>) target_semaphore(%arg21 : memref<!tpu.dma_semaphore, #tpu.memory_space<semaphore_mem>>)
      %slice3A_345 = vector.extract_strided_slice %get3A_178 {offsets = [12], sizes = [1], strides = [1]} : vector<16xi32> to vector<1xi32>
      %squeeze3A_346 = vector.extract %slice3A_345[0] : i32 from vector<1xi32>
      %mul3A_347 = arith.constant 16 : i32
      %mul3A_348 = arith.muli %scan3A_174, %mul3A_347 : i32
      %add3A_349 = arith.constant 12 : i32
      %add3A_350 = arith.addi %mul3A_348, %add3A_349 : i32
      %dma_start3A_351 = arith.constant 0 : i32
      %dma_start3A_352 = tpu.memref_slice %arg16[%add3A_350, %dma_start3A_351] : memref<512x32xf32, #tpu.memory_space<vmem>> -> memref<1x32xf32, #tpu.memory_space<vmem>>
      %dma_start3A_353 = arith.constant 0 : i32
      %dma_start3A_354 = tpu.memref_slice %arg6[%squeeze3A_346, %dma_start3A_353] : memref<100000x32xf32, #tpu.memory_space<hbm>> -> memref<1x32xf32, #tpu.memory_space<hbm>>
      %dma_start3A_355 = arith.constant 0 : i32
      %dma_start3A_356 = tpu.memref_slice %arg16[%add3A_350, %dma_start3A_355] : memref<512x32xf32, #tpu.memory_space<vmem>> -> memref<1x32xf32, #tpu.memory_space<vmem>>
      %dma_start3A_357 = arith.constant 0 : i32
      %dma_start3A_358 = tpu.memref_slice %arg6[%squeeze3A_346, %dma_start3A_357] : memref<100000x32xf32, #tpu.memory_space<hbm>> -> memref<1x32xf32, #tpu.memory_space<hbm>>
      tpu.enqueue_dma source(%dma_start3A_358 : memref<1x32xf32, #tpu.memory_space<hbm>>) target(%dma_start3A_356 : memref<1x32xf32, #tpu.memory_space<vmem>>) target_semaphore(%arg21 : memref<!tpu.dma_semaphore, #tpu.memory_space<semaphore_mem>>)
      %slice3A_359 = vector.extract_strided_slice %get3A_178 {offsets = [13], sizes = [1], strides = [1]} : vector<16xi32> to vector<1xi32>
      %squeeze3A_360 = vector.extract %slice3A_359[0] : i32 from vector<1xi32>
      %mul3A_361 = arith.constant 16 : i32
      %mul3A_362 = arith.muli %scan3A_174, %mul3A_361 : i32
      %add3A_363 = arith.constant 13 : i32
      %add3A_364 = arith.addi %mul3A_362, %add3A_363 : i32
      %dma_start3A_365 = arith.constant 0 : i32
      %dma_start3A_366 = tpu.memref_slice %arg16[%add3A_364, %dma_start3A_365] : memref<512x32xf32, #tpu.memory_space<vmem>> -> memref<1x32xf32, #tpu.memory_space<vmem>>
      %dma_start3A_367 = arith.constant 0 : i32
      %dma_start3A_368 = tpu.memref_slice %arg6[%squeeze3A_360, %dma_start3A_367] : memref<100000x32xf32, #tpu.memory_space<hbm>> -> memref<1x32xf32, #tpu.memory_space<hbm>>
      %dma_start3A_369 = arith.constant 0 : i32
      %dma_start3A_370 = tpu.memref_slice %arg16[%add3A_364, %dma_start3A_369] : memref<512x32xf32, #tpu.memory_space<vmem>> -> memref<1x32xf32, #tpu.memory_space<vmem>>
      %dma_start3A_371 = arith.constant 0 : i32
      %dma_start3A_372 = tpu.memref_slice %arg6[%squeeze3A_360, %dma_start3A_371] : memref<100000x32xf32, #tpu.memory_space<hbm>> -> memref<1x32xf32, #tpu.memory_space<hbm>>
      tpu.enqueue_dma source(%dma_start3A_372 : memref<1x32xf32, #tpu.memory_space<hbm>>) target(%dma_start3A_370 : memref<1x32xf32, #tpu.memory_space<vmem>>) target_semaphore(%arg21 : memref<!tpu.dma_semaphore, #tpu.memory_space<semaphore_mem>>)
      %slice3A_373 = vector.extract_strided_slice %get3A_178 {offsets = [14], sizes = [1], strides = [1]} : vector<16xi32> to vector<1xi32>
      %squeeze3A_374 = vector.extract %slice3A_373[0] : i32 from vector<1xi32>
      %mul3A_375 = arith.constant 16 : i32
      %mul3A_376 = arith.muli %scan3A_174, %mul3A_375 : i32
      %add3A_377 = arith.constant 14 : i32
      %add3A_378 = arith.addi %mul3A_376, %add3A_377 : i32
      %dma_start3A_379 = arith.constant 0 : i32
      %dma_start3A_380 = tpu.memref_slice %arg16[%add3A_378, %dma_start3A_379] : memref<512x32xf32, #tpu.memory_space<vmem>> -> memref<1x32xf32, #tpu.memory_space<vmem>>
      %dma_start3A_381 = arith.constant 0 : i32
      %dma_start3A_382 = tpu.memref_slice %arg6[%squeeze3A_374, %dma_start3A_381] : memref<100000x32xf32, #tpu.memory_space<hbm>> -> memref<1x32xf32, #tpu.memory_space<hbm>>
      %dma_start3A_383 = arith.constant 0 : i32
      %dma_start3A_384 = tpu.memref_slice %arg16[%add3A_378, %dma_start3A_383] : memref<512x32xf32, #tpu.memory_space<vmem>> -> memref<1x32xf32, #tpu.memory_space<vmem>>
      %dma_start3A_385 = arith.constant 0 : i32
      %dma_start3A_386 = tpu.memref_slice %arg6[%squeeze3A_374, %dma_start3A_385] : memref<100000x32xf32, #tpu.memory_space<hbm>> -> memref<1x32xf32, #tpu.memory_space<hbm>>
      tpu.enqueue_dma source(%dma_start3A_386 : memref<1x32xf32, #tpu.memory_space<hbm>>) target(%dma_start3A_384 : memref<1x32xf32, #tpu.memory_space<vmem>>) target_semaphore(%arg21 : memref<!tpu.dma_semaphore, #tpu.memory_space<semaphore_mem>>)
      %slice3A_387 = vector.extract_strided_slice %get3A_178 {offsets = [15], sizes = [1], strides = [1]} : vector<16xi32> to vector<1xi32>
      %squeeze3A_388 = vector.extract %slice3A_387[0] : i32 from vector<1xi32>
      %mul3A_389 = arith.constant 16 : i32
      %mul3A_390 = arith.muli %scan3A_174, %mul3A_389 : i32
      %add3A_391 = arith.constant 15 : i32
      %add3A_392 = arith.addi %mul3A_390, %add3A_391 : i32
      %dma_start3A_393 = arith.constant 0 : i32
      %dma_start3A_394 = tpu.memref_slice %arg16[%add3A_392, %dma_start3A_393] : memref<512x32xf32, #tpu.memory_space<vmem>> -> memref<1x32xf32, #tpu.memory_space<vmem>>
      %dma_start3A_395 = arith.constant 0 : i32
      %dma_start3A_396 = tpu.memref_slice %arg6[%squeeze3A_388, %dma_start3A_395] : memref<100000x32xf32, #tpu.memory_space<hbm>> -> memref<1x32xf32, #tpu.memory_space<hbm>>
      %dma_start3A_397 = arith.constant 0 : i32
      %dma_start3A_398 = tpu.memref_slice %arg16[%add3A_392, %dma_start3A_397] : memref<512x32xf32, #tpu.memory_space<vmem>> -> memref<1x32xf32, #tpu.memory_space<vmem>>
      %dma_start3A_399 = arith.constant 0 : i32
      %dma_start3A_400 = tpu.memref_slice %arg6[%squeeze3A_388, %dma_start3A_399] : memref<100000x32xf32, #tpu.memory_space<hbm>> -> memref<1x32xf32, #tpu.memory_space<hbm>>
      tpu.enqueue_dma source(%dma_start3A_400 : memref<1x32xf32, #tpu.memory_space<hbm>>) target(%dma_start3A_398 : memref<1x32xf32, #tpu.memory_space<vmem>>) target_semaphore(%arg21 : memref<!tpu.dma_semaphore, #tpu.memory_space<semaphore_mem>>)
    }
    %scan3A_10 = arith.constant 32 : i32
    %dma_start3A_11 = arith.constant 128 : i32
    %dma_start3A_12 = tpu.memref_slice %arg12[%dma_start3A_11] : memref<512xi32, #tpu.memory_space<vmem>> -> memref<128xi32, #tpu.memory_space<vmem>>
    %dma_start3A_13 = arith.constant 0 : i32
    %dma_start3A_14 = arith.constant 0 : i32
    %dma_start3A_15 = tpu.memref_slice %arg4[%dma_start3A_13, %dma_start3A_14] : memref<100000x128xf32, #tpu.memory_space<hbm>> -> memref<100000x128xf32, #tpu.memory_space<hbm>>
    tpu.enqueue_indirect_dma source(%dma_start3A_15 : memref<100000x128xf32, #tpu.memory_space<hbm>>) target(%arg15 : memref<128x128xf32, #tpu.memory_space<vmem>>) offsets(%dma_start3A_12 : memref<128xi32, #tpu.memory_space<vmem>>) semaphore(%arg18 : memref<!tpu.dma_semaphore, #tpu.memory_space<semaphore_mem>>)
    %dma_wait3A = arith.constant 0 : i32
    %dma_wait3A_16 = tpu.memref_slice %arg12[%dma_wait3A] : memref<512xi32, #tpu.memory_space<vmem>> -> memref<128xi32, #tpu.memory_space<vmem>>
    %dma_wait3A_17 = arith.constant 0 : i32
    %dma_wait3A_18 = arith.constant 0 : i32
    %dma_wait3A_19 = tpu.memref_slice %arg4[%dma_wait3A_17, %dma_wait3A_18] : memref<100000x128xf32, #tpu.memory_space<hbm>> -> memref<100000x128xf32, #tpu.memory_space<hbm>>
    tpu.wait_indirect_dma semaphore(%arg17 : memref<!tpu.dma_semaphore, #tpu.memory_space<semaphore_mem>>) src(%dma_wait3A_19 : memref<100000x128xf32, #tpu.memory_space<hbm>>) dst(%arg14 : memref<128x128xf32, #tpu.memory_space<vmem>>)
    %add3A_20 = arith.constant 0 : i32
    %add3A_21 = arith.addi %mul3A_2, %add3A_20 : i32
    %dma_start3A_22 = arith.constant 0 : i32
    %dma_start3A_23 = tpu.memref_slice %arg8[%add3A_21, %dma_start3A_22] : memref<16384x128xf32, #tpu.memory_space<hbm>> -> memref<128x128xf32, #tpu.memory_space<hbm>>
    %dma_start3A_24 = arith.constant 0 : i32
    %dma_start3A_25 = tpu.memref_slice %arg8[%add3A_21, %dma_start3A_24] : memref<16384x128xf32, #tpu.memory_space<hbm>> -> memref<128x128xf32, #tpu.memory_space<hbm>>
    tpu.enqueue_dma source(%arg14 : memref<128x128xf32, #tpu.memory_space<vmem>>) target(%dma_start3A_25 : memref<128x128xf32, #tpu.memory_space<hbm>>) target_semaphore(%arg19 : memref<!tpu.dma_semaphore, #tpu.memory_space<semaphore_mem>>)
    %dma_wait3A_26 = arith.constant 0 : i32
    %dma_wait3A_27 = tpu.memref_slice %arg8[%mul3A_2, %dma_wait3A_26] : memref<16384x128xf32, #tpu.memory_space<hbm>> -> memref<128x128xf32, #tpu.memory_space<hbm>>
    %dma_wait3A_28 = arith.constant 0 : i32
    %dma_wait3A_29 = tpu.memref_slice %arg8[%mul3A_2, %dma_wait3A_28] : memref<16384x128xf32, #tpu.memory_space<hbm>> -> memref<128x128xf32, #tpu.memory_space<hbm>>
    tpu.wait_dma2 semaphore(%arg19 : memref<!tpu.dma_semaphore, #tpu.memory_space<semaphore_mem>>) src(%arg14 : memref<128x128xf32, #tpu.memory_space<vmem>>) dst(%dma_wait3A_29 : memref<128x128xf32, #tpu.memory_space<hbm>>)
    %dma_start3A_30 = arith.constant 256 : i32
    %dma_start3A_31 = tpu.memref_slice %arg12[%dma_start3A_30] : memref<512xi32, #tpu.memory_space<vmem>> -> memref<128xi32, #tpu.memory_space<vmem>>
    %dma_start3A_32 = arith.constant 0 : i32
    %dma_start3A_33 = arith.constant 0 : i32
    %dma_start3A_34 = tpu.memref_slice %arg4[%dma_start3A_32, %dma_start3A_33] : memref<100000x128xf32, #tpu.memory_space<hbm>> -> memref<100000x128xf32, #tpu.memory_space<hbm>>
    tpu.enqueue_indirect_dma source(%dma_start3A_34 : memref<100000x128xf32, #tpu.memory_space<hbm>>) target(%arg14 : memref<128x128xf32, #tpu.memory_space<vmem>>) offsets(%dma_start3A_31 : memref<128xi32, #tpu.memory_space<vmem>>) semaphore(%arg17 : memref<!tpu.dma_semaphore, #tpu.memory_space<semaphore_mem>>)
    %dma_wait3A_35 = arith.constant 128 : i32
    %dma_wait3A_36 = tpu.memref_slice %arg12[%dma_wait3A_35] : memref<512xi32, #tpu.memory_space<vmem>> -> memref<128xi32, #tpu.memory_space<vmem>>
    %dma_wait3A_37 = arith.constant 0 : i32
    %dma_wait3A_38 = arith.constant 0 : i32
    %dma_wait3A_39 = tpu.memref_slice %arg4[%dma_wait3A_37, %dma_wait3A_38] : memref<100000x128xf32, #tpu.memory_space<hbm>> -> memref<100000x128xf32, #tpu.memory_space<hbm>>
    tpu.wait_indirect_dma semaphore(%arg18 : memref<!tpu.dma_semaphore, #tpu.memory_space<semaphore_mem>>) src(%dma_wait3A_39 : memref<100000x128xf32, #tpu.memory_space<hbm>>) dst(%arg15 : memref<128x128xf32, #tpu.memory_space<vmem>>)
    %add3A_40 = arith.constant 128 : i32
    %add3A_41 = arith.addi %mul3A_2, %add3A_40 : i32
    %dma_start3A_42 = arith.constant 0 : i32
    %dma_start3A_43 = tpu.memref_slice %arg8[%add3A_41, %dma_start3A_42] : memref<16384x128xf32, #tpu.memory_space<hbm>> -> memref<128x128xf32, #tpu.memory_space<hbm>>
    %dma_start3A_44 = arith.constant 0 : i32
    %dma_start3A_45 = tpu.memref_slice %arg8[%add3A_41, %dma_start3A_44] : memref<16384x128xf32, #tpu.memory_space<hbm>> -> memref<128x128xf32, #tpu.memory_space<hbm>>
    tpu.enqueue_dma source(%arg15 : memref<128x128xf32, #tpu.memory_space<vmem>>) target(%dma_start3A_45 : memref<128x128xf32, #tpu.memory_space<hbm>>) target_semaphore(%arg20 : memref<!tpu.dma_semaphore, #tpu.memory_space<semaphore_mem>>)
    %dma_wait3A_46 = arith.constant 0 : i32
    %dma_wait3A_47 = tpu.memref_slice %arg8[%mul3A_2, %dma_wait3A_46] : memref<16384x128xf32, #tpu.memory_space<hbm>> -> memref<128x128xf32, #tpu.memory_space<hbm>>
    %dma_wait3A_48 = arith.constant 0 : i32
    %dma_wait3A_49 = tpu.memref_slice %arg8[%mul3A_2, %dma_wait3A_48] : memref<16384x128xf32, #tpu.memory_space<hbm>> -> memref<128x128xf32, #tpu.memory_space<hbm>>
    tpu.wait_dma2 semaphore(%arg20 : memref<!tpu.dma_semaphore, #tpu.memory_space<semaphore_mem>>) src(%arg15 : memref<128x128xf32, #tpu.memory_space<vmem>>) dst(%dma_wait3A_49 : memref<128x128xf32, #tpu.memory_space<hbm>>)
    %dma_start3A_50 = arith.constant 384 : i32
    %dma_start3A_51 = tpu.memref_slice %arg12[%dma_start3A_50] : memref<512xi32, #tpu.memory_space<vmem>> -> memref<128xi32, #tpu.memory_space<vmem>>
    %dma_start3A_52 = arith.constant 0 : i32
    %dma_start3A_53 = arith.constant 0 : i32
    %dma_start3A_54 = tpu.memref_slice %arg4[%dma_start3A_52, %dma_start3A_53] : memref<100000x128xf32, #tpu.memory_space<hbm>> -> memref<100000x128xf32, #tpu.memory_space<hbm>>
    tpu.enqueue_indirect_dma source(%dma_start3A_54 : memref<100000x128xf32, #tpu.memory_space<hbm>>) target(%arg15 : memref<128x128xf32, #tpu.memory_space<vmem>>) offsets(%dma_start3A_51 : memref<128xi32, #tpu.memory_space<vmem>>) semaphore(%arg18 : memref<!tpu.dma_semaphore, #tpu.memory_space<semaphore_mem>>)
    %dma_wait3A_55 = arith.constant 256 : i32
    %dma_wait3A_56 = tpu.memref_slice %arg12[%dma_wait3A_55] : memref<512xi32, #tpu.memory_space<vmem>> -> memref<128xi32, #tpu.memory_space<vmem>>
    %dma_wait3A_57 = arith.constant 0 : i32
    %dma_wait3A_58 = arith.constant 0 : i32
    %dma_wait3A_59 = tpu.memref_slice %arg4[%dma_wait3A_57, %dma_wait3A_58] : memref<100000x128xf32, #tpu.memory_space<hbm>> -> memref<100000x128xf32, #tpu.memory_space<hbm>>
    tpu.wait_indirect_dma semaphore(%arg17 : memref<!tpu.dma_semaphore, #tpu.memory_space<semaphore_mem>>) src(%dma_wait3A_59 : memref<100000x128xf32, #tpu.memory_space<hbm>>) dst(%arg14 : memref<128x128xf32, #tpu.memory_space<vmem>>)
    %add3A_60 = arith.constant 256 : i32
    %add3A_61 = arith.addi %mul3A_2, %add3A_60 : i32
    %dma_start3A_62 = arith.constant 0 : i32
    %dma_start3A_63 = tpu.memref_slice %arg8[%add3A_61, %dma_start3A_62] : memref<16384x128xf32, #tpu.memory_space<hbm>> -> memref<128x128xf32, #tpu.memory_space<hbm>>
    %dma_start3A_64 = arith.constant 0 : i32
    %dma_start3A_65 = tpu.memref_slice %arg8[%add3A_61, %dma_start3A_64] : memref<16384x128xf32, #tpu.memory_space<hbm>> -> memref<128x128xf32, #tpu.memory_space<hbm>>
    tpu.enqueue_dma source(%arg14 : memref<128x128xf32, #tpu.memory_space<vmem>>) target(%dma_start3A_65 : memref<128x128xf32, #tpu.memory_space<hbm>>) target_semaphore(%arg19 : memref<!tpu.dma_semaphore, #tpu.memory_space<semaphore_mem>>)
    %dma_wait3A_66 = arith.constant 0 : i32
    %dma_wait3A_67 = tpu.memref_slice %arg9[%mul3A_2, %dma_wait3A_66] : memref<16384x128xf32, #tpu.memory_space<hbm>> -> memref<128x128xf32, #tpu.memory_space<hbm>>
    %dma_wait3A_68 = arith.constant 0 : i32
    %dma_wait3A_69 = tpu.memref_slice %arg9[%mul3A_2, %dma_wait3A_68] : memref<16384x128xf32, #tpu.memory_space<hbm>> -> memref<128x128xf32, #tpu.memory_space<hbm>>
    tpu.wait_dma2 semaphore(%arg19 : memref<!tpu.dma_semaphore, #tpu.memory_space<semaphore_mem>>) src(%arg14 : memref<128x128xf32, #tpu.memory_space<vmem>>) dst(%dma_wait3A_69 : memref<128x128xf32, #tpu.memory_space<hbm>>)
    %dma_start3A_70 = arith.constant 0 : i32
    %dma_start3A_71 = tpu.memref_slice %arg13[%dma_start3A_70] : memref<512xi32, #tpu.memory_space<vmem>> -> memref<128xi32, #tpu.memory_space<vmem>>
    %dma_start3A_72 = arith.constant 0 : i32
    %dma_start3A_73 = arith.constant 0 : i32
    %dma_start3A_74 = tpu.memref_slice %arg5[%dma_start3A_72, %dma_start3A_73] : memref<100000x128xf32, #tpu.memory_space<hbm>> -> memref<100000x128xf32, #tpu.memory_space<hbm>>
    tpu.enqueue_indirect_dma source(%dma_start3A_74 : memref<100000x128xf32, #tpu.memory_space<hbm>>) target(%arg14 : memref<128x128xf32, #tpu.memory_space<vmem>>) offsets(%dma_start3A_71 : memref<128xi32, #tpu.memory_space<vmem>>) semaphore(%arg17 : memref<!tpu.dma_semaphore, #tpu.memory_space<semaphore_mem>>)
    %dma_wait3A_75 = arith.constant 0 : i32
    %dma_wait3A_76 = arith.constant 0 : i32
    %dma_wait3A_77 = tpu.memref_slice %arg6[%dma_wait3A_75, %dma_wait3A_76] : memref<100000x32xf32, #tpu.memory_space<hbm>> -> memref<512x32xf32, #tpu.memory_space<hbm>>
    %dma_wait3A_78 = arith.constant 0 : i32
    %dma_wait3A_79 = arith.constant 0 : i32
    %dma_wait3A_80 = tpu.memref_slice %arg6[%dma_wait3A_78, %dma_wait3A_79] : memref<100000x32xf32, #tpu.memory_space<hbm>> -> memref<512x32xf32, #tpu.memory_space<hbm>>
    tpu.wait_dma2 semaphore(%arg21 : memref<!tpu.dma_semaphore, #tpu.memory_space<semaphore_mem>>) src(%dma_wait3A_80 : memref<512x32xf32, #tpu.memory_space<hbm>>) dst(%arg16 : memref<512x32xf32, #tpu.memory_space<vmem>>)
    "tpu.region"() ({
      %run_scoped3A = tpu.sem_alloc : memref<!tpu.dma_semaphore, #tpu.memory_space<semaphore_mem>>
      %dma_start3A_174 = arith.constant 0 : i32
      %dma_start3A_175 = tpu.memref_slice %arg10[%mul3A_2, %dma_start3A_174] : memref<16384x32xf32, #tpu.memory_space<hbm>> -> memref<512x32xf32, #tpu.memory_space<hbm>>
      %dma_start3A_176 = arith.constant 0 : i32
      %dma_start3A_177 = tpu.memref_slice %arg10[%mul3A_2, %dma_start3A_176] : memref<16384x32xf32, #tpu.memory_space<hbm>> -> memref<512x32xf32, #tpu.memory_space<hbm>>
      tpu.enqueue_dma source(%arg16 : memref<512x32xf32, #tpu.memory_space<vmem>>) target(%dma_start3A_177 : memref<512x32xf32, #tpu.memory_space<hbm>>) target_semaphore(%run_scoped3A : memref<!tpu.dma_semaphore, #tpu.memory_space<semaphore_mem>>)
      %dma_wait3A_178 = arith.constant 0 : i32
      %dma_wait3A_179 = tpu.memref_slice %arg10[%mul3A_2, %dma_wait3A_178] : memref<16384x32xf32, #tpu.memory_space<hbm>> -> memref<512x32xf32, #tpu.memory_space<hbm>>
      %dma_wait3A_180 = arith.constant 0 : i32
      %dma_wait3A_181 = tpu.memref_slice %arg10[%mul3A_2, %dma_wait3A_180] : memref<16384x32xf32, #tpu.memory_space<hbm>> -> memref<512x32xf32, #tpu.memory_space<hbm>>
      tpu.wait_dma2 semaphore(%run_scoped3A : memref<!tpu.dma_semaphore, #tpu.memory_space<semaphore_mem>>) src(%arg16 : memref<512x32xf32, #tpu.memory_space<vmem>>) dst(%dma_wait3A_181 : memref<512x32xf32, #tpu.memory_space<hbm>>)
      tpu.yield
    }) : () -> ()
    %scan3A_81 = arith.constant 0 : i32
    %scan3A_82 = arith.constant 32 : i32
    %scan3A_83 = arith.addi %scan3A_81, %scan3A_82 : i32
    %scan3A_84 = arith.constant 1 : i32
    scf.for %scan3A_174 = %scan3A_81 to %scan3A_83 step %scan3A_84  : i32 {
      %mul3A_175 = arith.constant 16 : i32
      %mul3A_176 = arith.muli %scan3A_174, %mul3A_175 : i32
      %get3A = arith.index_cast %mul3A_176 : i32 to index
      %get3A_177 = tpu.vector_load %arg13[%get3A] {strides = array<i32>} : memref<512xi32, #tpu.memory_space<vmem>>, vector<16xi32>,
      %get3A_178 = vector.shape_cast %get3A_177 : vector<16xi32> to vector<16xi32>
      %slice3A = vector.extract_strided_slice %get3A_178 {offsets = [0], sizes = [1], strides = [1]} : vector<16xi32> to vector<1xi32>
      %squeeze3A = vector.extract %slice3A[0] : i32 from vector<1xi32>
      %mul3A_179 = arith.constant 16 : i32
      %mul3A_180 = arith.muli %scan3A_174, %mul3A_179 : i32
      %add3A_181 = arith.constant 0 : i32
      %add3A_182 = arith.addi %mul3A_180, %add3A_181 : i32
      %dma_start3A_183 = arith.constant 0 : i32
      %dma_start3A_184 = tpu.memref_slice %arg16[%add3A_182, %dma_start3A_183] : memref<512x32xf32, #tpu.memory_space<vmem>> -> memref<1x32xf32, #tpu.memory_space<vmem>>
      %dma_start3A_185 = arith.constant 0 : i32
      %dma_start3A_186 = tpu.memref_slice %arg7[%squeeze3A, %dma_start3A_185] : memref<100000x32xf32, #tpu.memory_space<hbm>> -> memref<1x32xf32, #tpu.memory_space<hbm>>
      %dma_start3A_187 = arith.constant 0 : i32
      %dma_start3A_188 = tpu.memref_slice %arg16[%add3A_182, %dma_start3A_187] : memref<512x32xf32, #tpu.memory_space<vmem>> -> memref<1x32xf32, #tpu.memory_space<vmem>>
      %dma_start3A_189 = arith.constant 0 : i32
      %dma_start3A_190 = tpu.memref_slice %arg7[%squeeze3A, %dma_start3A_189] : memref<100000x32xf32, #tpu.memory_space<hbm>> -> memref<1x32xf32, #tpu.memory_space<hbm>>
      tpu.enqueue_dma source(%dma_start3A_190 : memref<1x32xf32, #tpu.memory_space<hbm>>) target(%dma_start3A_188 : memref<1x32xf32, #tpu.memory_space<vmem>>) target_semaphore(%arg21 : memref<!tpu.dma_semaphore, #tpu.memory_space<semaphore_mem>>)
      %slice3A_191 = vector.extract_strided_slice %get3A_178 {offsets = [1], sizes = [1], strides = [1]} : vector<16xi32> to vector<1xi32>
      %squeeze3A_192 = vector.extract %slice3A_191[0] : i32 from vector<1xi32>
      %mul3A_193 = arith.constant 16 : i32
      %mul3A_194 = arith.muli %scan3A_174, %mul3A_193 : i32
      %add3A_195 = arith.constant 1 : i32
      %add3A_196 = arith.addi %mul3A_194, %add3A_195 : i32
      %dma_start3A_197 = arith.constant 0 : i32
      %dma_start3A_198 = tpu.memref_slice %arg16[%add3A_196, %dma_start3A_197] : memref<512x32xf32, #tpu.memory_space<vmem>> -> memref<1x32xf32, #tpu.memory_space<vmem>>
      %dma_start3A_199 = arith.constant 0 : i32
      %dma_start3A_200 = tpu.memref_slice %arg7[%squeeze3A_192, %dma_start3A_199] : memref<100000x32xf32, #tpu.memory_space<hbm>> -> memref<1x32xf32, #tpu.memory_space<hbm>>
      %dma_start3A_201 = arith.constant 0 : i32
      %dma_start3A_202 = tpu.memref_slice %arg16[%add3A_196, %dma_start3A_201] : memref<512x32xf32, #tpu.memory_space<vmem>> -> memref<1x32xf32, #tpu.memory_space<vmem>>
      %dma_start3A_203 = arith.constant 0 : i32
      %dma_start3A_204 = tpu.memref_slice %arg7[%squeeze3A_192, %dma_start3A_203] : memref<100000x32xf32, #tpu.memory_space<hbm>> -> memref<1x32xf32, #tpu.memory_space<hbm>>
      tpu.enqueue_dma source(%dma_start3A_204 : memref<1x32xf32, #tpu.memory_space<hbm>>) target(%dma_start3A_202 : memref<1x32xf32, #tpu.memory_space<vmem>>) target_semaphore(%arg21 : memref<!tpu.dma_semaphore, #tpu.memory_space<semaphore_mem>>)
      %slice3A_205 = vector.extract_strided_slice %get3A_178 {offsets = [2], sizes = [1], strides = [1]} : vector<16xi32> to vector<1xi32>
      %squeeze3A_206 = vector.extract %slice3A_205[0] : i32 from vector<1xi32>
      %mul3A_207 = arith.constant 16 : i32
      %mul3A_208 = arith.muli %scan3A_174, %mul3A_207 : i32
      %add3A_209 = arith.constant 2 : i32
      %add3A_210 = arith.addi %mul3A_208, %add3A_209 : i32
      %dma_start3A_211 = arith.constant 0 : i32
      %dma_start3A_212 = tpu.memref_slice %arg16[%add3A_210, %dma_start3A_211] : memref<512x32xf32, #tpu.memory_space<vmem>> -> memref<1x32xf32, #tpu.memory_space<vmem>>
      %dma_start3A_213 = arith.constant 0 : i32
      %dma_start3A_214 = tpu.memref_slice %arg7[%squeeze3A_206, %dma_start3A_213] : memref<100000x32xf32, #tpu.memory_space<hbm>> -> memref<1x32xf32, #tpu.memory_space<hbm>>
      %dma_start3A_215 = arith.constant 0 : i32
      %dma_start3A_216 = tpu.memref_slice %arg16[%add3A_210, %dma_start3A_215] : memref<512x32xf32, #tpu.memory_space<vmem>> -> memref<1x32xf32, #tpu.memory_space<vmem>>
      %dma_start3A_217 = arith.constant 0 : i32
      %dma_start3A_218 = tpu.memref_slice %arg7[%squeeze3A_206, %dma_start3A_217] : memref<100000x32xf32, #tpu.memory_space<hbm>> -> memref<1x32xf32, #tpu.memory_space<hbm>>
      tpu.enqueue_dma source(%dma_start3A_218 : memref<1x32xf32, #tpu.memory_space<hbm>>) target(%dma_start3A_216 : memref<1x32xf32, #tpu.memory_space<vmem>>) target_semaphore(%arg21 : memref<!tpu.dma_semaphore, #tpu.memory_space<semaphore_mem>>)
      %slice3A_219 = vector.extract_strided_slice %get3A_178 {offsets = [3], sizes = [1], strides = [1]} : vector<16xi32> to vector<1xi32>
      %squeeze3A_220 = vector.extract %slice3A_219[0] : i32 from vector<1xi32>
      %mul3A_221 = arith.constant 16 : i32
      %mul3A_222 = arith.muli %scan3A_174, %mul3A_221 : i32
      %add3A_223 = arith.constant 3 : i32
      %add3A_224 = arith.addi %mul3A_222, %add3A_223 : i32
      %dma_start3A_225 = arith.constant 0 : i32
      %dma_start3A_226 = tpu.memref_slice %arg16[%add3A_224, %dma_start3A_225] : memref<512x32xf32, #tpu.memory_space<vmem>> -> memref<1x32xf32, #tpu.memory_space<vmem>>
      %dma_start3A_227 = arith.constant 0 : i32
      %dma_start3A_228 = tpu.memref_slice %arg7[%squeeze3A_220, %dma_start3A_227] : memref<100000x32xf32, #tpu.memory_space<hbm>> -> memref<1x32xf32, #tpu.memory_space<hbm>>
      %dma_start3A_229 = arith.constant 0 : i32
      %dma_start3A_230 = tpu.memref_slice %arg16[%add3A_224, %dma_start3A_229] : memref<512x32xf32, #tpu.memory_space<vmem>> -> memref<1x32xf32, #tpu.memory_space<vmem>>
      %dma_start3A_231 = arith.constant 0 : i32
      %dma_start3A_232 = tpu.memref_slice %arg7[%squeeze3A_220, %dma_start3A_231] : memref<100000x32xf32, #tpu.memory_space<hbm>> -> memref<1x32xf32, #tpu.memory_space<hbm>>
      tpu.enqueue_dma source(%dma_start3A_232 : memref<1x32xf32, #tpu.memory_space<hbm>>) target(%dma_start3A_230 : memref<1x32xf32, #tpu.memory_space<vmem>>) target_semaphore(%arg21 : memref<!tpu.dma_semaphore, #tpu.memory_space<semaphore_mem>>)
      %slice3A_233 = vector.extract_strided_slice %get3A_178 {offsets = [4], sizes = [1], strides = [1]} : vector<16xi32> to vector<1xi32>
      %squeeze3A_234 = vector.extract %slice3A_233[0] : i32 from vector<1xi32>
      %mul3A_235 = arith.constant 16 : i32
      %mul3A_236 = arith.muli %scan3A_174, %mul3A_235 : i32
      %add3A_237 = arith.constant 4 : i32
      %add3A_238 = arith.addi %mul3A_236, %add3A_237 : i32
      %dma_start3A_239 = arith.constant 0 : i32
      %dma_start3A_240 = tpu.memref_slice %arg16[%add3A_238, %dma_start3A_239] : memref<512x32xf32, #tpu.memory_space<vmem>> -> memref<1x32xf32, #tpu.memory_space<vmem>>
      %dma_start3A_241 = arith.constant 0 : i32
      %dma_start3A_242 = tpu.memref_slice %arg7[%squeeze3A_234, %dma_start3A_241] : memref<100000x32xf32, #tpu.memory_space<hbm>> -> memref<1x32xf32, #tpu.memory_space<hbm>>
      %dma_start3A_243 = arith.constant 0 : i32
      %dma_start3A_244 = tpu.memref_slice %arg16[%add3A_238, %dma_start3A_243] : memref<512x32xf32, #tpu.memory_space<vmem>> -> memref<1x32xf32, #tpu.memory_space<vmem>>
      %dma_start3A_245 = arith.constant 0 : i32
      %dma_start3A_246 = tpu.memref_slice %arg7[%squeeze3A_234, %dma_start3A_245] : memref<100000x32xf32, #tpu.memory_space<hbm>> -> memref<1x32xf32, #tpu.memory_space<hbm>>
      tpu.enqueue_dma source(%dma_start3A_246 : memref<1x32xf32, #tpu.memory_space<hbm>>) target(%dma_start3A_244 : memref<1x32xf32, #tpu.memory_space<vmem>>) target_semaphore(%arg21 : memref<!tpu.dma_semaphore, #tpu.memory_space<semaphore_mem>>)
      %slice3A_247 = vector.extract_strided_slice %get3A_178 {offsets = [5], sizes = [1], strides = [1]} : vector<16xi32> to vector<1xi32>
      %squeeze3A_248 = vector.extract %slice3A_247[0] : i32 from vector<1xi32>
      %mul3A_249 = arith.constant 16 : i32
      %mul3A_250 = arith.muli %scan3A_174, %mul3A_249 : i32
      %add3A_251 = arith.constant 5 : i32
      %add3A_252 = arith.addi %mul3A_250, %add3A_251 : i32
      %dma_start3A_253 = arith.constant 0 : i32
      %dma_start3A_254 = tpu.memref_slice %arg16[%add3A_252, %dma_start3A_253] : memref<512x32xf32, #tpu.memory_space<vmem>> -> memref<1x32xf32, #tpu.memory_space<vmem>>
      %dma_start3A_255 = arith.constant 0 : i32
      %dma_start3A_256 = tpu.memref_slice %arg7[%squeeze3A_248, %dma_start3A_255] : memref<100000x32xf32, #tpu.memory_space<hbm>> -> memref<1x32xf32, #tpu.memory_space<hbm>>
      %dma_start3A_257 = arith.constant 0 : i32
      %dma_start3A_258 = tpu.memref_slice %arg16[%add3A_252, %dma_start3A_257] : memref<512x32xf32, #tpu.memory_space<vmem>> -> memref<1x32xf32, #tpu.memory_space<vmem>>
      %dma_start3A_259 = arith.constant 0 : i32
      %dma_start3A_260 = tpu.memref_slice %arg7[%squeeze3A_248, %dma_start3A_259] : memref<100000x32xf32, #tpu.memory_space<hbm>> -> memref<1x32xf32, #tpu.memory_space<hbm>>
      tpu.enqueue_dma source(%dma_start3A_260 : memref<1x32xf32, #tpu.memory_space<hbm>>) target(%dma_start3A_258 : memref<1x32xf32, #tpu.memory_space<vmem>>) target_semaphore(%arg21 : memref<!tpu.dma_semaphore, #tpu.memory_space<semaphore_mem>>)
      %slice3A_261 = vector.extract_strided_slice %get3A_178 {offsets = [6], sizes = [1], strides = [1]} : vector<16xi32> to vector<1xi32>
      %squeeze3A_262 = vector.extract %slice3A_261[0] : i32 from vector<1xi32>
      %mul3A_263 = arith.constant 16 : i32
      %mul3A_264 = arith.muli %scan3A_174, %mul3A_263 : i32
      %add3A_265 = arith.constant 6 : i32
      %add3A_266 = arith.addi %mul3A_264, %add3A_265 : i32
      %dma_start3A_267 = arith.constant 0 : i32
      %dma_start3A_268 = tpu.memref_slice %arg16[%add3A_266, %dma_start3A_267] : memref<512x32xf32, #tpu.memory_space<vmem>> -> memref<1x32xf32, #tpu.memory_space<vmem>>
      %dma_start3A_269 = arith.constant 0 : i32
      %dma_start3A_270 = tpu.memref_slice %arg7[%squeeze3A_262, %dma_start3A_269] : memref<100000x32xf32, #tpu.memory_space<hbm>> -> memref<1x32xf32, #tpu.memory_space<hbm>>
      %dma_start3A_271 = arith.constant 0 : i32
      %dma_start3A_272 = tpu.memref_slice %arg16[%add3A_266, %dma_start3A_271] : memref<512x32xf32, #tpu.memory_space<vmem>> -> memref<1x32xf32, #tpu.memory_space<vmem>>
      %dma_start3A_273 = arith.constant 0 : i32
      %dma_start3A_274 = tpu.memref_slice %arg7[%squeeze3A_262, %dma_start3A_273] : memref<100000x32xf32, #tpu.memory_space<hbm>> -> memref<1x32xf32, #tpu.memory_space<hbm>>
      tpu.enqueue_dma source(%dma_start3A_274 : memref<1x32xf32, #tpu.memory_space<hbm>>) target(%dma_start3A_272 : memref<1x32xf32, #tpu.memory_space<vmem>>) target_semaphore(%arg21 : memref<!tpu.dma_semaphore, #tpu.memory_space<semaphore_mem>>)
      %slice3A_275 = vector.extract_strided_slice %get3A_178 {offsets = [7], sizes = [1], strides = [1]} : vector<16xi32> to vector<1xi32>
      %squeeze3A_276 = vector.extract %slice3A_275[0] : i32 from vector<1xi32>
      %mul3A_277 = arith.constant 16 : i32
      %mul3A_278 = arith.muli %scan3A_174, %mul3A_277 : i32
      %add3A_279 = arith.constant 7 : i32
      %add3A_280 = arith.addi %mul3A_278, %add3A_279 : i32
      %dma_start3A_281 = arith.constant 0 : i32
      %dma_start3A_282 = tpu.memref_slice %arg16[%add3A_280, %dma_start3A_281] : memref<512x32xf32, #tpu.memory_space<vmem>> -> memref<1x32xf32, #tpu.memory_space<vmem>>
      %dma_start3A_283 = arith.constant 0 : i32
      %dma_start3A_284 = tpu.memref_slice %arg7[%squeeze3A_276, %dma_start3A_283] : memref<100000x32xf32, #tpu.memory_space<hbm>> -> memref<1x32xf32, #tpu.memory_space<hbm>>
      %dma_start3A_285 = arith.constant 0 : i32
      %dma_start3A_286 = tpu.memref_slice %arg16[%add3A_280, %dma_start3A_285] : memref<512x32xf32, #tpu.memory_space<vmem>> -> memref<1x32xf32, #tpu.memory_space<vmem>>
      %dma_start3A_287 = arith.constant 0 : i32
      %dma_start3A_288 = tpu.memref_slice %arg7[%squeeze3A_276, %dma_start3A_287] : memref<100000x32xf32, #tpu.memory_space<hbm>> -> memref<1x32xf32, #tpu.memory_space<hbm>>
      tpu.enqueue_dma source(%dma_start3A_288 : memref<1x32xf32, #tpu.memory_space<hbm>>) target(%dma_start3A_286 : memref<1x32xf32, #tpu.memory_space<vmem>>) target_semaphore(%arg21 : memref<!tpu.dma_semaphore, #tpu.memory_space<semaphore_mem>>)
      %slice3A_289 = vector.extract_strided_slice %get3A_178 {offsets = [8], sizes = [1], strides = [1]} : vector<16xi32> to vector<1xi32>
      %squeeze3A_290 = vector.extract %slice3A_289[0] : i32 from vector<1xi32>
      %mul3A_291 = arith.constant 16 : i32
      %mul3A_292 = arith.muli %scan3A_174, %mul3A_291 : i32
      %add3A_293 = arith.constant 8 : i32
      %add3A_294 = arith.addi %mul3A_292, %add3A_293 : i32
      %dma_start3A_295 = arith.constant 0 : i32
      %dma_start3A_296 = tpu.memref_slice %arg16[%add3A_294, %dma_start3A_295] : memref<512x32xf32, #tpu.memory_space<vmem>> -> memref<1x32xf32, #tpu.memory_space<vmem>>
      %dma_start3A_297 = arith.constant 0 : i32
      %dma_start3A_298 = tpu.memref_slice %arg7[%squeeze3A_290, %dma_start3A_297] : memref<100000x32xf32, #tpu.memory_space<hbm>> -> memref<1x32xf32, #tpu.memory_space<hbm>>
      %dma_start3A_299 = arith.constant 0 : i32
      %dma_start3A_300 = tpu.memref_slice %arg16[%add3A_294, %dma_start3A_299] : memref<512x32xf32, #tpu.memory_space<vmem>> -> memref<1x32xf32, #tpu.memory_space<vmem>>
      %dma_start3A_301 = arith.constant 0 : i32
      %dma_start3A_302 = tpu.memref_slice %arg7[%squeeze3A_290, %dma_start3A_301] : memref<100000x32xf32, #tpu.memory_space<hbm>> -> memref<1x32xf32, #tpu.memory_space<hbm>>
      tpu.enqueue_dma source(%dma_start3A_302 : memref<1x32xf32, #tpu.memory_space<hbm>>) target(%dma_start3A_300 : memref<1x32xf32, #tpu.memory_space<vmem>>) target_semaphore(%arg21 : memref<!tpu.dma_semaphore, #tpu.memory_space<semaphore_mem>>)
      %slice3A_303 = vector.extract_strided_slice %get3A_178 {offsets = [9], sizes = [1], strides = [1]} : vector<16xi32> to vector<1xi32>
      %squeeze3A_304 = vector.extract %slice3A_303[0] : i32 from vector<1xi32>
      %mul3A_305 = arith.constant 16 : i32
      %mul3A_306 = arith.muli %scan3A_174, %mul3A_305 : i32
      %add3A_307 = arith.constant 9 : i32
      %add3A_308 = arith.addi %mul3A_306, %add3A_307 : i32
      %dma_start3A_309 = arith.constant 0 : i32
      %dma_start3A_310 = tpu.memref_slice %arg16[%add3A_308, %dma_start3A_309] : memref<512x32xf32, #tpu.memory_space<vmem>> -> memref<1x32xf32, #tpu.memory_space<vmem>>
      %dma_start3A_311 = arith.constant 0 : i32
      %dma_start3A_312 = tpu.memref_slice %arg7[%squeeze3A_304, %dma_start3A_311] : memref<100000x32xf32, #tpu.memory_space<hbm>> -> memref<1x32xf32, #tpu.memory_space<hbm>>
      %dma_start3A_313 = arith.constant 0 : i32
      %dma_start3A_314 = tpu.memref_slice %arg16[%add3A_308, %dma_start3A_313] : memref<512x32xf32, #tpu.memory_space<vmem>> -> memref<1x32xf32, #tpu.memory_space<vmem>>
      %dma_start3A_315 = arith.constant 0 : i32
      %dma_start3A_316 = tpu.memref_slice %arg7[%squeeze3A_304, %dma_start3A_315] : memref<100000x32xf32, #tpu.memory_space<hbm>> -> memref<1x32xf32, #tpu.memory_space<hbm>>
      tpu.enqueue_dma source(%dma_start3A_316 : memref<1x32xf32, #tpu.memory_space<hbm>>) target(%dma_start3A_314 : memref<1x32xf32, #tpu.memory_space<vmem>>) target_semaphore(%arg21 : memref<!tpu.dma_semaphore, #tpu.memory_space<semaphore_mem>>)
      %slice3A_317 = vector.extract_strided_slice %get3A_178 {offsets = [10], sizes = [1], strides = [1]} : vector<16xi32> to vector<1xi32>
      %squeeze3A_318 = vector.extract %slice3A_317[0] : i32 from vector<1xi32>
      %mul3A_319 = arith.constant 16 : i32
      %mul3A_320 = arith.muli %scan3A_174, %mul3A_319 : i32
      %add3A_321 = arith.constant 10 : i32
      %add3A_322 = arith.addi %mul3A_320, %add3A_321 : i32
      %dma_start3A_323 = arith.constant 0 : i32
      %dma_start3A_324 = tpu.memref_slice %arg16[%add3A_322, %dma_start3A_323] : memref<512x32xf32, #tpu.memory_space<vmem>> -> memref<1x32xf32, #tpu.memory_space<vmem>>
      %dma_start3A_325 = arith.constant 0 : i32
      %dma_start3A_326 = tpu.memref_slice %arg7[%squeeze3A_318, %dma_start3A_325] : memref<100000x32xf32, #tpu.memory_space<hbm>> -> memref<1x32xf32, #tpu.memory_space<hbm>>
      %dma_start3A_327 = arith.constant 0 : i32
      %dma_start3A_328 = tpu.memref_slice %arg16[%add3A_322, %dma_start3A_327] : memref<512x32xf32, #tpu.memory_space<vmem>> -> memref<1x32xf32, #tpu.memory_space<vmem>>
      %dma_start3A_329 = arith.constant 0 : i32
      %dma_start3A_330 = tpu.memref_slice %arg7[%squeeze3A_318, %dma_start3A_329] : memref<100000x32xf32, #tpu.memory_space<hbm>> -> memref<1x32xf32, #tpu.memory_space<hbm>>
      tpu.enqueue_dma source(%dma_start3A_330 : memref<1x32xf32, #tpu.memory_space<hbm>>) target(%dma_start3A_328 : memref<1x32xf32, #tpu.memory_space<vmem>>) target_semaphore(%arg21 : memref<!tpu.dma_semaphore, #tpu.memory_space<semaphore_mem>>)
      %slice3A_331 = vector.extract_strided_slice %get3A_178 {offsets = [11], sizes = [1], strides = [1]} : vector<16xi32> to vector<1xi32>
      %squeeze3A_332 = vector.extract %slice3A_331[0] : i32 from vector<1xi32>
      %mul3A_333 = arith.constant 16 : i32
      %mul3A_334 = arith.muli %scan3A_174, %mul3A_333 : i32
      %add3A_335 = arith.constant 11 : i32
      %add3A_336 = arith.addi %mul3A_334, %add3A_335 : i32
      %dma_start3A_337 = arith.constant 0 : i32
      %dma_start3A_338 = tpu.memref_slice %arg16[%add3A_336, %dma_start3A_337] : memref<512x32xf32, #tpu.memory_space<vmem>> -> memref<1x32xf32, #tpu.memory_space<vmem>>
      %dma_start3A_339 = arith.constant 0 : i32
      %dma_start3A_340 = tpu.memref_slice %arg7[%squeeze3A_332, %dma_start3A_339] : memref<100000x32xf32, #tpu.memory_space<hbm>> -> memref<1x32xf32, #tpu.memory_space<hbm>>
      %dma_start3A_341 = arith.constant 0 : i32
      %dma_start3A_342 = tpu.memref_slice %arg16[%add3A_336, %dma_start3A_341] : memref<512x32xf32, #tpu.memory_space<vmem>> -> memref<1x32xf32, #tpu.memory_space<vmem>>
      %dma_start3A_343 = arith.constant 0 : i32
      %dma_start3A_344 = tpu.memref_slice %arg7[%squeeze3A_332, %dma_start3A_343] : memref<100000x32xf32, #tpu.memory_space<hbm>> -> memref<1x32xf32, #tpu.memory_space<hbm>>
      tpu.enqueue_dma source(%dma_start3A_344 : memref<1x32xf32, #tpu.memory_space<hbm>>) target(%dma_start3A_342 : memref<1x32xf32, #tpu.memory_space<vmem>>) target_semaphore(%arg21 : memref<!tpu.dma_semaphore, #tpu.memory_space<semaphore_mem>>)
      %slice3A_345 = vector.extract_strided_slice %get3A_178 {offsets = [12], sizes = [1], strides = [1]} : vector<16xi32> to vector<1xi32>
      %squeeze3A_346 = vector.extract %slice3A_345[0] : i32 from vector<1xi32>
      %mul3A_347 = arith.constant 16 : i32
      %mul3A_348 = arith.muli %scan3A_174, %mul3A_347 : i32
      %add3A_349 = arith.constant 12 : i32
      %add3A_350 = arith.addi %mul3A_348, %add3A_349 : i32
      %dma_start3A_351 = arith.constant 0 : i32
      %dma_start3A_352 = tpu.memref_slice %arg16[%add3A_350, %dma_start3A_351] : memref<512x32xf32, #tpu.memory_space<vmem>> -> memref<1x32xf32, #tpu.memory_space<vmem>>
      %dma_start3A_353 = arith.constant 0 : i32
      %dma_start3A_354 = tpu.memref_slice %arg7[%squeeze3A_346, %dma_start3A_353] : memref<100000x32xf32, #tpu.memory_space<hbm>> -> memref<1x32xf32, #tpu.memory_space<hbm>>
      %dma_start3A_355 = arith.constant 0 : i32
      %dma_start3A_356 = tpu.memref_slice %arg16[%add3A_350, %dma_start3A_355] : memref<512x32xf32, #tpu.memory_space<vmem>> -> memref<1x32xf32, #tpu.memory_space<vmem>>
      %dma_start3A_357 = arith.constant 0 : i32
      %dma_start3A_358 = tpu.memref_slice %arg7[%squeeze3A_346, %dma_start3A_357] : memref<100000x32xf32, #tpu.memory_space<hbm>> -> memref<1x32xf32, #tpu.memory_space<hbm>>
      tpu.enqueue_dma source(%dma_start3A_358 : memref<1x32xf32, #tpu.memory_space<hbm>>) target(%dma_start3A_356 : memref<1x32xf32, #tpu.memory_space<vmem>>) target_semaphore(%arg21 : memref<!tpu.dma_semaphore, #tpu.memory_space<semaphore_mem>>)
      %slice3A_359 = vector.extract_strided_slice %get3A_178 {offsets = [13], sizes = [1], strides = [1]} : vector<16xi32> to vector<1xi32>
      %squeeze3A_360 = vector.extract %slice3A_359[0] : i32 from vector<1xi32>
      %mul3A_361 = arith.constant 16 : i32
      %mul3A_362 = arith.muli %scan3A_174, %mul3A_361 : i32
      %add3A_363 = arith.constant 13 : i32
      %add3A_364 = arith.addi %mul3A_362, %add3A_363 : i32
      %dma_start3A_365 = arith.constant 0 : i32
      %dma_start3A_366 = tpu.memref_slice %arg16[%add3A_364, %dma_start3A_365] : memref<512x32xf32, #tpu.memory_space<vmem>> -> memref<1x32xf32, #tpu.memory_space<vmem>>
      %dma_start3A_367 = arith.constant 0 : i32
      %dma_start3A_368 = tpu.memref_slice %arg7[%squeeze3A_360, %dma_start3A_367] : memref<100000x32xf32, #tpu.memory_space<hbm>> -> memref<1x32xf32, #tpu.memory_space<hbm>>
      %dma_start3A_369 = arith.constant 0 : i32
      %dma_start3A_370 = tpu.memref_slice %arg16[%add3A_364, %dma_start3A_369] : memref<512x32xf32, #tpu.memory_space<vmem>> -> memref<1x32xf32, #tpu.memory_space<vmem>>
      %dma_start3A_371 = arith.constant 0 : i32
      %dma_start3A_372 = tpu.memref_slice %arg7[%squeeze3A_360, %dma_start3A_371] : memref<100000x32xf32, #tpu.memory_space<hbm>> -> memref<1x32xf32, #tpu.memory_space<hbm>>
      tpu.enqueue_dma source(%dma_start3A_372 : memref<1x32xf32, #tpu.memory_space<hbm>>) target(%dma_start3A_370 : memref<1x32xf32, #tpu.memory_space<vmem>>) target_semaphore(%arg21 : memref<!tpu.dma_semaphore, #tpu.memory_space<semaphore_mem>>)
      %slice3A_373 = vector.extract_strided_slice %get3A_178 {offsets = [14], sizes = [1], strides = [1]} : vector<16xi32> to vector<1xi32>
      %squeeze3A_374 = vector.extract %slice3A_373[0] : i32 from vector<1xi32>
      %mul3A_375 = arith.constant 16 : i32
      %mul3A_376 = arith.muli %scan3A_174, %mul3A_375 : i32
      %add3A_377 = arith.constant 14 : i32
      %add3A_378 = arith.addi %mul3A_376, %add3A_377 : i32
      %dma_start3A_379 = arith.constant 0 : i32
      %dma_start3A_380 = tpu.memref_slice %arg16[%add3A_378, %dma_start3A_379] : memref<512x32xf32, #tpu.memory_space<vmem>> -> memref<1x32xf32, #tpu.memory_space<vmem>>
      %dma_start3A_381 = arith.constant 0 : i32
      %dma_start3A_382 = tpu.memref_slice %arg7[%squeeze3A_374, %dma_start3A_381] : memref<100000x32xf32, #tpu.memory_space<hbm>> -> memref<1x32xf32, #tpu.memory_space<hbm>>
      %dma_start3A_383 = arith.constant 0 : i32
      %dma_start3A_384 = tpu.memref_slice %arg16[%add3A_378, %dma_start3A_383] : memref<512x32xf32, #tpu.memory_space<vmem>> -> memref<1x32xf32, #tpu.memory_space<vmem>>
      %dma_start3A_385 = arith.constant 0 : i32
      %dma_start3A_386 = tpu.memref_slice %arg7[%squeeze3A_374, %dma_start3A_385] : memref<100000x32xf32, #tpu.memory_space<hbm>> -> memref<1x32xf32, #tpu.memory_space<hbm>>
      tpu.enqueue_dma source(%dma_start3A_386 : memref<1x32xf32, #tpu.memory_space<hbm>>) target(%dma_start3A_384 : memref<1x32xf32, #tpu.memory_space<vmem>>) target_semaphore(%arg21 : memref<!tpu.dma_semaphore, #tpu.memory_space<semaphore_mem>>)
      %slice3A_387 = vector.extract_strided_slice %get3A_178 {offsets = [15], sizes = [1], strides = [1]} : vector<16xi32> to vector<1xi32>
      %squeeze3A_388 = vector.extract %slice3A_387[0] : i32 from vector<1xi32>
      %mul3A_389 = arith.constant 16 : i32
      %mul3A_390 = arith.muli %scan3A_174, %mul3A_389 : i32
      %add3A_391 = arith.constant 15 : i32
      %add3A_392 = arith.addi %mul3A_390, %add3A_391 : i32
      %dma_start3A_393 = arith.constant 0 : i32
      %dma_start3A_394 = tpu.memref_slice %arg16[%add3A_392, %dma_start3A_393] : memref<512x32xf32, #tpu.memory_space<vmem>> -> memref<1x32xf32, #tpu.memory_space<vmem>>
      %dma_start3A_395 = arith.constant 0 : i32
      %dma_start3A_396 = tpu.memref_slice %arg7[%squeeze3A_388, %dma_start3A_395] : memref<100000x32xf32, #tpu.memory_space<hbm>> -> memref<1x32xf32, #tpu.memory_space<hbm>>
      %dma_start3A_397 = arith.constant 0 : i32
      %dma_start3A_398 = tpu.memref_slice %arg16[%add3A_392, %dma_start3A_397] : memref<512x32xf32, #tpu.memory_space<vmem>> -> memref<1x32xf32, #tpu.memory_space<vmem>>
      %dma_start3A_399 = arith.constant 0 : i32
      %dma_start3A_400 = tpu.memref_slice %arg7[%squeeze3A_388, %dma_start3A_399] : memref<100000x32xf32, #tpu.memory_space<hbm>> -> memref<1x32xf32, #tpu.memory_space<hbm>>
      tpu.enqueue_dma source(%dma_start3A_400 : memref<1x32xf32, #tpu.memory_space<hbm>>) target(%dma_start3A_398 : memref<1x32xf32, #tpu.memory_space<vmem>>) target_semaphore(%arg21 : memref<!tpu.dma_semaphore, #tpu.memory_space<semaphore_mem>>)
    }
    %scan3A_85 = arith.constant 32 : i32
    %dma_wait3A_86 = arith.constant 384 : i32
    %dma_wait3A_87 = tpu.memref_slice %arg12[%dma_wait3A_86] : memref<512xi32, #tpu.memory_space<vmem>> -> memref<128xi32, #tpu.memory_space<vmem>>
    %dma_wait3A_88 = arith.constant 0 : i32
    %dma_wait3A_89 = arith.constant 0 : i32
    %dma_wait3A_90 = tpu.memref_slice %arg4[%dma_wait3A_88, %dma_wait3A_89] : memref<100000x128xf32, #tpu.memory_space<hbm>> -> memref<100000x128xf32, #tpu.memory_space<hbm>>
    tpu.wait_indirect_dma semaphore(%arg18 : memref<!tpu.dma_semaphore, #tpu.memory_space<semaphore_mem>>) src(%dma_wait3A_90 : memref<100000x128xf32, #tpu.memory_space<hbm>>) dst(%arg15 : memref<128x128xf32, #tpu.memory_space<vmem>>)
    %add3A_91 = arith.constant 384 : i32
    %add3A_92 = arith.addi %mul3A_2, %add3A_91 : i32
    %dma_start3A_93 = arith.constant 0 : i32
    %dma_start3A_94 = tpu.memref_slice %arg8[%add3A_92, %dma_start3A_93] : memref<16384x128xf32, #tpu.memory_space<hbm>> -> memref<128x128xf32, #tpu.memory_space<hbm>>
    %dma_start3A_95 = arith.constant 0 : i32
    %dma_start3A_96 = tpu.memref_slice %arg8[%add3A_92, %dma_start3A_95] : memref<16384x128xf32, #tpu.memory_space<hbm>> -> memref<128x128xf32, #tpu.memory_space<hbm>>
    tpu.enqueue_dma source(%arg15 : memref<128x128xf32, #tpu.memory_space<vmem>>) target(%dma_start3A_96 : memref<128x128xf32, #tpu.memory_space<hbm>>) target_semaphore(%arg20 : memref<!tpu.dma_semaphore, #tpu.memory_space<semaphore_mem>>)
    %dma_wait3A_97 = arith.constant 0 : i32
    %dma_wait3A_98 = tpu.memref_slice %arg9[%mul3A_2, %dma_wait3A_97] : memref<16384x128xf32, #tpu.memory_space<hbm>> -> memref<128x128xf32, #tpu.memory_space<hbm>>
    %dma_wait3A_99 = arith.constant 0 : i32
    %dma_wait3A_100 = tpu.memref_slice %arg9[%mul3A_2, %dma_wait3A_99] : memref<16384x128xf32, #tpu.memory_space<hbm>> -> memref<128x128xf32, #tpu.memory_space<hbm>>
    tpu.wait_dma2 semaphore(%arg20 : memref<!tpu.dma_semaphore, #tpu.memory_space<semaphore_mem>>) src(%arg15 : memref<128x128xf32, #tpu.memory_space<vmem>>) dst(%dma_wait3A_100 : memref<128x128xf32, #tpu.memory_space<hbm>>)
    %dma_start3A_101 = arith.constant 128 : i32
    %dma_start3A_102 = tpu.memref_slice %arg13[%dma_start3A_101] : memref<512xi32, #tpu.memory_space<vmem>> -> memref<128xi32, #tpu.memory_space<vmem>>
    %dma_start3A_103 = arith.constant 0 : i32
    %dma_start3A_104 = arith.constant 0 : i32
    %dma_start3A_105 = tpu.memref_slice %arg5[%dma_start3A_103, %dma_start3A_104] : memref<100000x128xf32, #tpu.memory_space<hbm>> -> memref<100000x128xf32, #tpu.memory_space<hbm>>
    tpu.enqueue_indirect_dma source(%dma_start3A_105 : memref<100000x128xf32, #tpu.memory_space<hbm>>) target(%arg15 : memref<128x128xf32, #tpu.memory_space<vmem>>) offsets(%dma_start3A_102 : memref<128xi32, #tpu.memory_space<vmem>>) semaphore(%arg18 : memref<!tpu.dma_semaphore, #tpu.memory_space<semaphore_mem>>)
    %dma_wait3A_106 = arith.constant 0 : i32
    %dma_wait3A_107 = tpu.memref_slice %arg13[%dma_wait3A_106] : memref<512xi32, #tpu.memory_space<vmem>> -> memref<128xi32, #tpu.memory_space<vmem>>
    %dma_wait3A_108 = arith.constant 0 : i32
    %dma_wait3A_109 = arith.constant 0 : i32
    %dma_wait3A_110 = tpu.memref_slice %arg5[%dma_wait3A_108, %dma_wait3A_109] : memref<100000x128xf32, #tpu.memory_space<hbm>> -> memref<100000x128xf32, #tpu.memory_space<hbm>>
    tpu.wait_indirect_dma semaphore(%arg17 : memref<!tpu.dma_semaphore, #tpu.memory_space<semaphore_mem>>) src(%dma_wait3A_110 : memref<100000x128xf32, #tpu.memory_space<hbm>>) dst(%arg14 : memref<128x128xf32, #tpu.memory_space<vmem>>)
    %add3A_111 = arith.constant 0 : i32
    %add3A_112 = arith.addi %mul3A_2, %add3A_111 : i32
    %dma_start3A_113 = arith.constant 0 : i32
    %dma_start3A_114 = tpu.memref_slice %arg9[%add3A_112, %dma_start3A_113] : memref<16384x128xf32, #tpu.memory_space<hbm>> -> memref<128x128xf32, #tpu.memory_space<hbm>>
    %dma_start3A_115 = arith.constant 0 : i32
    %dma_start3A_116 = tpu.memref_slice %arg9[%add3A_112, %dma_start3A_115] : memref<16384x128xf32, #tpu.memory_space<hbm>> -> memref<128x128xf32, #tpu.memory_space<hbm>>
    tpu.enqueue_dma source(%arg14 : memref<128x128xf32, #tpu.memory_space<vmem>>) target(%dma_start3A_116 : memref<128x128xf32, #tpu.memory_space<hbm>>) target_semaphore(%arg19 : memref<!tpu.dma_semaphore, #tpu.memory_space<semaphore_mem>>)
    %dma_wait3A_117 = arith.constant 0 : i32
    %dma_wait3A_118 = tpu.memref_slice %arg9[%mul3A_2, %dma_wait3A_117] : memref<16384x128xf32, #tpu.memory_space<hbm>> -> memref<128x128xf32, #tpu.memory_space<hbm>>
    %dma_wait3A_119 = arith.constant 0 : i32
    %dma_wait3A_120 = tpu.memref_slice %arg9[%mul3A_2, %dma_wait3A_119] : memref<16384x128xf32, #tpu.memory_space<hbm>> -> memref<128x128xf32, #tpu.memory_space<hbm>>
    tpu.wait_dma2 semaphore(%arg19 : memref<!tpu.dma_semaphore, #tpu.memory_space<semaphore_mem>>) src(%arg14 : memref<128x128xf32, #tpu.memory_space<vmem>>) dst(%dma_wait3A_120 : memref<128x128xf32, #tpu.memory_space<hbm>>)
    %dma_start3A_121 = arith.constant 256 : i32
    %dma_start3A_122 = tpu.memref_slice %arg13[%dma_start3A_121] : memref<512xi32, #tpu.memory_space<vmem>> -> memref<128xi32, #tpu.memory_space<vmem>>
    %dma_start3A_123 = arith.constant 0 : i32
    %dma_start3A_124 = arith.constant 0 : i32
    %dma_start3A_125 = tpu.memref_slice %arg5[%dma_start3A_123, %dma_start3A_124] : memref<100000x128xf32, #tpu.memory_space<hbm>> -> memref<100000x128xf32, #tpu.memory_space<hbm>>
    tpu.enqueue_indirect_dma source(%dma_start3A_125 : memref<100000x128xf32, #tpu.memory_space<hbm>>) target(%arg14 : memref<128x128xf32, #tpu.memory_space<vmem>>) offsets(%dma_start3A_122 : memref<128xi32, #tpu.memory_space<vmem>>) semaphore(%arg17 : memref<!tpu.dma_semaphore, #tpu.memory_space<semaphore_mem>>)
    %dma_wait3A_126 = arith.constant 128 : i32
    %dma_wait3A_127 = tpu.memref_slice %arg13[%dma_wait3A_126] : memref<512xi32, #tpu.memory_space<vmem>> -> memref<128xi32, #tpu.memory_space<vmem>>
    %dma_wait3A_128 = arith.constant 0 : i32
    %dma_wait3A_129 = arith.constant 0 : i32
    %dma_wait3A_130 = tpu.memref_slice %arg5[%dma_wait3A_128, %dma_wait3A_129] : memref<100000x128xf32, #tpu.memory_space<hbm>> -> memref<100000x128xf32, #tpu.memory_space<hbm>>
    tpu.wait_indirect_dma semaphore(%arg18 : memref<!tpu.dma_semaphore, #tpu.memory_space<semaphore_mem>>) src(%dma_wait3A_130 : memref<100000x128xf32, #tpu.memory_space<hbm>>) dst(%arg15 : memref<128x128xf32, #tpu.memory_space<vmem>>)
    %add3A_131 = arith.constant 128 : i32
    %add3A_132 = arith.addi %mul3A_2, %add3A_131 : i32
    %dma_start3A_133 = arith.constant 0 : i32
    %dma_start3A_134 = tpu.memref_slice %arg9[%add3A_132, %dma_start3A_133] : memref<16384x128xf32, #tpu.memory_space<hbm>> -> memref<128x128xf32, #tpu.memory_space<hbm>>
    %dma_start3A_135 = arith.constant 0 : i32
    %dma_start3A_136 = tpu.memref_slice %arg9[%add3A_132, %dma_start3A_135] : memref<16384x128xf32, #tpu.memory_space<hbm>> -> memref<128x128xf32, #tpu.memory_space<hbm>>
    tpu.enqueue_dma source(%arg15 : memref<128x128xf32, #tpu.memory_space<vmem>>) target(%dma_start3A_136 : memref<128x128xf32, #tpu.memory_space<hbm>>) target_semaphore(%arg20 : memref<!tpu.dma_semaphore, #tpu.memory_space<semaphore_mem>>)
    %dma_wait3A_137 = arith.constant 0 : i32
    %dma_wait3A_138 = tpu.memref_slice %arg9[%mul3A_2, %dma_wait3A_137] : memref<16384x128xf32, #tpu.memory_space<hbm>> -> memref<128x128xf32, #tpu.memory_space<hbm>>
    %dma_wait3A_139 = arith.constant 0 : i32
    %dma_wait3A_140 = tpu.memref_slice %arg9[%mul3A_2, %dma_wait3A_139] : memref<16384x128xf32, #tpu.memory_space<hbm>> -> memref<128x128xf32, #tpu.memory_space<hbm>>
    tpu.wait_dma2 semaphore(%arg20 : memref<!tpu.dma_semaphore, #tpu.memory_space<semaphore_mem>>) src(%arg15 : memref<128x128xf32, #tpu.memory_space<vmem>>) dst(%dma_wait3A_140 : memref<128x128xf32, #tpu.memory_space<hbm>>)
    %dma_start3A_141 = arith.constant 384 : i32
    %dma_start3A_142 = tpu.memref_slice %arg13[%dma_start3A_141] : memref<512xi32, #tpu.memory_space<vmem>> -> memref<128xi32, #tpu.memory_space<vmem>>
    %dma_start3A_143 = arith.constant 0 : i32
    %dma_start3A_144 = arith.constant 0 : i32
    %dma_start3A_145 = tpu.memref_slice %arg5[%dma_start3A_143, %dma_start3A_144] : memref<100000x128xf32, #tpu.memory_space<hbm>> -> memref<100000x128xf32, #tpu.memory_space<hbm>>
    tpu.enqueue_indirect_dma source(%dma_start3A_145 : memref<100000x128xf32, #tpu.memory_space<hbm>>) target(%arg15 : memref<128x128xf32, #tpu.memory_space<vmem>>) offsets(%dma_start3A_142 : memref<128xi32, #tpu.memory_space<vmem>>) semaphore(%arg18 : memref<!tpu.dma_semaphore, #tpu.memory_space<semaphore_mem>>)
    %dma_wait3A_146 = arith.constant 256 : i32
    %dma_wait3A_147 = tpu.memref_slice %arg13[%dma_wait3A_146] : memref<512xi32, #tpu.memory_space<vmem>> -> memref<128xi32, #tpu.memory_space<vmem>>
    %dma_wait3A_148 = arith.constant 0 : i32
    %dma_wait3A_149 = arith.constant 0 : i32
    %dma_wait3A_150 = tpu.memref_slice %arg5[%dma_wait3A_148, %dma_wait3A_149] : memref<100000x128xf32, #tpu.memory_space<hbm>> -> memref<100000x128xf32, #tpu.memory_space<hbm>>
    tpu.wait_indirect_dma semaphore(%arg17 : memref<!tpu.dma_semaphore, #tpu.memory_space<semaphore_mem>>) src(%dma_wait3A_150 : memref<100000x128xf32, #tpu.memory_space<hbm>>) dst(%arg14 : memref<128x128xf32, #tpu.memory_space<vmem>>)
    %add3A_151 = arith.constant 256 : i32
    %add3A_152 = arith.addi %mul3A_2, %add3A_151 : i32
    %dma_start3A_153 = arith.constant 0 : i32
    %dma_start3A_154 = tpu.memref_slice %arg9[%add3A_152, %dma_start3A_153] : memref<16384x128xf32, #tpu.memory_space<hbm>> -> memref<128x128xf32, #tpu.memory_space<hbm>>
    %dma_start3A_155 = arith.constant 0 : i32
    %dma_start3A_156 = tpu.memref_slice %arg9[%add3A_152, %dma_start3A_155] : memref<16384x128xf32, #tpu.memory_space<hbm>> -> memref<128x128xf32, #tpu.memory_space<hbm>>
    tpu.enqueue_dma source(%arg14 : memref<128x128xf32, #tpu.memory_space<vmem>>) target(%dma_start3A_156 : memref<128x128xf32, #tpu.memory_space<hbm>>) target_semaphore(%arg19 : memref<!tpu.dma_semaphore, #tpu.memory_space<semaphore_mem>>)
    %dma_wait3A_157 = arith.constant 384 : i32
    %dma_wait3A_158 = tpu.memref_slice %arg13[%dma_wait3A_157] : memref<512xi32, #tpu.memory_space<vmem>> -> memref<128xi32, #tpu.memory_space<vmem>>
    %dma_wait3A_159 = arith.constant 0 : i32
    %dma_wait3A_160 = arith.constant 0 : i32
    %dma_wait3A_161 = tpu.memref_slice %arg5[%dma_wait3A_159, %dma_wait3A_160] : memref<100000x128xf32, #tpu.memory_space<hbm>> -> memref<100000x128xf32, #tpu.memory_space<hbm>>
    tpu.wait_indirect_dma semaphore(%arg18 : memref<!tpu.dma_semaphore, #tpu.memory_space<semaphore_mem>>) src(%dma_wait3A_161 : memref<100000x128xf32, #tpu.memory_space<hbm>>) dst(%arg15 : memref<128x128xf32, #tpu.memory_space<vmem>>)
    %add3A_162 = arith.constant 384 : i32
    %add3A_163 = arith.addi %mul3A_2, %add3A_162 : i32
    "tpu.region"() ({
      %run_scoped3A = tpu.sem_alloc : memref<!tpu.dma_semaphore, #tpu.memory_space<semaphore_mem>>
      %dma_start3A_174 = arith.constant 0 : i32
      %dma_start3A_175 = tpu.memref_slice %arg9[%add3A_163, %dma_start3A_174] : memref<16384x128xf32, #tpu.memory_space<hbm>> -> memref<128x128xf32, #tpu.memory_space<hbm>>
      %dma_start3A_176 = arith.constant 0 : i32
      %dma_start3A_177 = tpu.memref_slice %arg9[%add3A_163, %dma_start3A_176] : memref<16384x128xf32, #tpu.memory_space<hbm>> -> memref<128x128xf32, #tpu.memory_space<hbm>>
      tpu.enqueue_dma source(%arg15 : memref<128x128xf32, #tpu.memory_space<vmem>>) target(%dma_start3A_177 : memref<128x128xf32, #tpu.memory_space<hbm>>) target_semaphore(%run_scoped3A : memref<!tpu.dma_semaphore, #tpu.memory_space<semaphore_mem>>)
      %dma_wait3A_178 = arith.constant 0 : i32
      %dma_wait3A_179 = tpu.memref_slice %arg9[%add3A_163, %dma_wait3A_178] : memref<16384x128xf32, #tpu.memory_space<hbm>> -> memref<128x128xf32, #tpu.memory_space<hbm>>
      %dma_wait3A_180 = arith.constant 0 : i32
      %dma_wait3A_181 = tpu.memref_slice %arg9[%add3A_163, %dma_wait3A_180] : memref<16384x128xf32, #tpu.memory_space<hbm>> -> memref<128x128xf32, #tpu.memory_space<hbm>>
      tpu.wait_dma2 semaphore(%run_scoped3A : memref<!tpu.dma_semaphore, #tpu.memory_space<semaphore_mem>>) src(%arg15 : memref<128x128xf32, #tpu.memory_space<vmem>>) dst(%dma_wait3A_181 : memref<128x128xf32, #tpu.memory_space<hbm>>)
      tpu.yield
    }) : () -> ()
    %dma_wait3A_164 = arith.constant 0 : i32
    %dma_wait3A_165 = tpu.memref_slice %arg9[%mul3A_2, %dma_wait3A_164] : memref<16384x128xf32, #tpu.memory_space<hbm>> -> memref<128x128xf32, #tpu.memory_space<hbm>>
    %dma_wait3A_166 = arith.constant 0 : i32
    %dma_wait3A_167 = tpu.memref_slice %arg9[%mul3A_2, %dma_wait3A_166] : memref<16384x128xf32, #tpu.memory_space<hbm>> -> memref<128x128xf32, #tpu.memory_space<hbm>>
    tpu.wait_dma2 semaphore(%arg19 : memref<!tpu.dma_semaphore, #tpu.memory_space<semaphore_mem>>) src(%arg14 : memref<128x128xf32, #tpu.memory_space<vmem>>) dst(%dma_wait3A_167 : memref<128x128xf32, #tpu.memory_space<hbm>>)
    %dma_wait3A_168 = arith.constant 0 : i32
    %dma_wait3A_169 = arith.constant 0 : i32
    %dma_wait3A_170 = tpu.memref_slice %arg7[%dma_wait3A_168, %dma_wait3A_169] : memref<100000x32xf32, #tpu.memory_space<hbm>> -> memref<512x32xf32, #tpu.memory_space<hbm>>
    %dma_wait3A_171 = arith.constant 0 : i32
    %dma_wait3A_172 = arith.constant 0 : i32
    %dma_wait3A_173 = tpu.memref_slice %arg7[%dma_wait3A_171, %dma_wait3A_172] : memref<100000x32xf32, #tpu.memory_space<hbm>> -> memref<512x32xf32, #tpu.memory_space<hbm>>
    tpu.wait_dma2 semaphore(%arg21 : memref<!tpu.dma_semaphore, #tpu.memory_space<semaphore_mem>>) src(%dma_wait3A_173 : memref<512x32xf32, #tpu.memory_space<hbm>>) dst(%arg16 : memref<512x32xf32, #tpu.memory_space<vmem>>)
    "tpu.region"() ({
      %run_scoped3A = tpu.sem_alloc : memref<!tpu.dma_semaphore, #tpu.memory_space<semaphore_mem>>
      %dma_start3A_174 = arith.constant 0 : i32
      %dma_start3A_175 = tpu.memref_slice %arg11[%mul3A_2, %dma_start3A_174] : memref<16384x32xf32, #tpu.memory_space<hbm>> -> memref<512x32xf32, #tpu.memory_space<hbm>>
      %dma_start3A_176 = arith.constant 0 : i32
      %dma_start3A_177 = tpu.memref_slice %arg11[%mul3A_2, %dma_start3A_176] : memref<16384x32xf32, #tpu.memory_space<hbm>> -> memref<512x32xf32, #tpu.memory_space<hbm>>
      tpu.enqueue_dma source(%arg16 : memref<512x32xf32, #tpu.memory_space<vmem>>) target(%dma_start3A_177 : memref<512x32xf32, #tpu.memory_space<hbm>>) target_semaphore(%run_scoped3A : memref<!tpu.dma_semaphore, #tpu.memory_space<semaphore_mem>>)
      %dma_wait3A_178 = arith.constant 0 : i32
      %dma_wait3A_179 = tpu.memref_slice %arg11[%mul3A_2, %dma_wait3A_178] : memref<16384x32xf32, #tpu.memory_space<hbm>> -> memref<512x32xf32, #tpu.memory_space<hbm>>
      %dma_wait3A_180 = arith.constant 0 : i32
      %dma_wait3A_181 = tpu.memref_slice %arg11[%mul3A_2, %dma_wait3A_180] : memref<16384x32xf32, #tpu.memory_space<hbm>> -> memref<512x32xf32, #tpu.memory_space<hbm>>
      tpu.wait_dma2 semaphore(%run_scoped3A : memref<!tpu.dma_semaphore, #tpu.memory_space<semaphore_mem>>) src(%arg16 : memref<512x32xf32, #tpu.memory_space<vmem>>) dst(%dma_wait3A_181 : memref<512x32xf32, #tpu.memory_space<hbm>>)
      tpu.yield
    }) : () -> ()
    return
  }
}

module attributes {stable_mosaic.version = 14 : i64} {
  func.func @_mlp_body(%arg0: i32, %arg1: memref<2048x128xf32, #tpu.memory_space<vmem>>, %arg2: memref<2048x128xf32, #tpu.memory_space<vmem>>, %arg3: memref<2048x32xf32, #tpu.memory_space<vmem>>, %arg4: memref<2048x32xf32, #tpu.memory_space<vmem>>, %arg5: memref<128x128xf32, #tpu.memory_space<vmem>>, %arg6: memref<128x128xf32, #tpu.memory_space<vmem>>, %arg7: memref<1x128xf32, #tpu.memory_space<vmem>>, %arg8: memref<128x64xf32, #tpu.memory_space<vmem>>, %arg9: memref<1x64xf32, #tpu.memory_space<vmem>>, %arg10: memref<64x32xf32, #tpu.memory_space<vmem>>, %arg11: memref<1x32xf32, #tpu.memory_space<vmem>>, %arg12: memref<1x32xf32, #tpu.memory_space<vmem>>, %arg13: memref<1x32xf32, #tpu.memory_space<vmem>>, %arg14: memref<1x1xf32, #tpu.memory_space<vmem>>, %arg15: memref<2048xf32, #tpu.memory_space<vmem>>) attributes {dimension_semantics = [#tpu.dimension_semantics<arbitrary>], iteration_bounds = array<i64: 8>, scalar_prefetch = 0 : i64, scratch_operands = 0 : i64, tpu.core_type = #tpu.core_type<tc>, window_params = [{transform_indices = @transform_0, window_bounds = array<i64: 2048, 128>}, {transform_indices = @transform_1, window_bounds = array<i64: 2048, 128>}, {transform_indices = @transform_2, window_bounds = array<i64: 2048, 32>}, {transform_indices = @transform_3, window_bounds = array<i64: 2048, 32>}, {pipeline_mode = #tpu.pipeline_mode<synchronous>, transform_indices = @transform_4, window_bounds = array<i64: 128, 128>}, {pipeline_mode = #tpu.pipeline_mode<synchronous>, transform_indices = @transform_5, window_bounds = array<i64: 128, 128>}, {pipeline_mode = #tpu.pipeline_mode<synchronous>, transform_indices = @transform_6, window_bounds = array<i64: 1, 128>}, {pipeline_mode = #tpu.pipeline_mode<synchronous>, transform_indices = @transform_7, window_bounds = array<i64: 128, 64>}, {pipeline_mode = #tpu.pipeline_mode<synchronous>, transform_indices = @transform_8, window_bounds = array<i64: 1, 64>}, {pipeline_mode = #tpu.pipeline_mode<synchronous>, transform_indices = @transform_9, window_bounds = array<i64: 64, 32>}, {pipeline_mode = #tpu.pipeline_mode<synchronous>, transform_indices = @transform_10, window_bounds = array<i64: 1, 32>}, {pipeline_mode = #tpu.pipeline_mode<synchronous>, transform_indices = @transform_11, window_bounds = array<i64: 1, 32>}, {pipeline_mode = #tpu.pipeline_mode<synchronous>, transform_indices = @transform_12, window_bounds = array<i64: 1, 32>}, {pipeline_mode = #tpu.pipeline_mode<synchronous>, transform_indices = @transform_13, window_bounds = array<i64: 1, 1>}, {transform_indices = @transform_14, window_bounds = array<i64: 2048>}]} {
    %get3A = arith.constant 0 : index
    %get3A_0 = arith.constant 0 : index
    %get3A_1 = vector.load %arg1[%get3A, %get3A_0] : memref<2048x128xf32, #tpu.memory_space<vmem>>, vector<2048x128xf32>
    %get3A_2 = arith.constant 0 : index
    %get3A_3 = arith.constant 0 : index
    %get3A_4 = vector.load %arg5[%get3A_2, %get3A_3] : memref<128x128xf32, #tpu.memory_space<vmem>>, vector<128x128xf32>
    %dot_general3A = arith.constant dense<0.000000e+00> : vector<2048x128xf32>
    %dot_general3A_5 = tpu.matmul %get3A_1, %get3A_4, %dot_general3A {dimension_numbers = #tpu.dot_dimension_numbers<[1], [0], [0], [1], [0, 0, 1, 1], [], []>, transpose_lhs_hint = false} : vector<2048x128xf32>, vector<128x128xf32>, vector<2048x128xf32> -> vector<2048x128xf32>
    %get3A_6 = arith.constant 0 : index
    %get3A_7 = arith.constant 0 : index
    %get3A_8 = vector.load %arg2[%get3A_6, %get3A_7] : memref<2048x128xf32, #tpu.memory_space<vmem>>, vector<2048x128xf32>
    %get3A_9 = arith.constant 0 : index
    %get3A_10 = arith.constant 0 : index
    %get3A_11 = vector.load %arg6[%get3A_9, %get3A_10] : memref<128x128xf32, #tpu.memory_space<vmem>>, vector<128x128xf32>
    %dot_general3A_12 = arith.constant dense<0.000000e+00> : vector<2048x128xf32>
    %dot_general3A_13 = tpu.matmul %get3A_8, %get3A_11, %dot_general3A_12 {dimension_numbers = #tpu.dot_dimension_numbers<[1], [0], [0], [1], [0, 0, 1, 1], [], []>, transpose_lhs_hint = false} : vector<2048x128xf32>, vector<128x128xf32>, vector<2048x128xf32> -> vector<2048x128xf32>
    %add3A = arith.addf %dot_general3A_5, %dot_general3A_13 : vector<2048x128xf32>
    %get3A_14 = arith.constant 0 : index
    %get3A_15 = arith.constant 0 : index
    %get3A_16 = vector.load %arg7[%get3A_14, %get3A_15] : memref<1x128xf32, #tpu.memory_space<vmem>>, vector<1x128xf32>
    %add3A_17 = vector.broadcast %get3A_16 : vector<1x128xf32> to vector<2048x128xf32>
    %add3A_18 = arith.addf %add3A, %add3A_17 : vector<2048x128xf32>
    %max3A = arith.constant 0.000000e+00 : f32
    %max3A_19 = vector.broadcast %max3A : f32 to vector<2048x128xf32>
    %max3A_20 = arith.maximumf %add3A_18, %max3A_19 : vector<2048x128xf32>
    %get3A_21 = arith.constant 0 : index
    %get3A_22 = arith.constant 0 : index
    %get3A_23 = vector.load %arg8[%get3A_21, %get3A_22] : memref<128x64xf32, #tpu.memory_space<vmem>>, vector<128x64xf32>
    %dot_general3A_24 = arith.constant dense<0.000000e+00> : vector<2048x64xf32>
    %dot_general3A_25 = tpu.matmul %max3A_20, %get3A_23, %dot_general3A_24 {dimension_numbers = #tpu.dot_dimension_numbers<[1], [0], [0], [1], [0, 0, 1, 1], [], []>, transpose_lhs_hint = false} : vector<2048x128xf32>, vector<128x64xf32>, vector<2048x64xf32> -> vector<2048x64xf32>
    %get3A_26 = arith.constant 0 : index
    %get3A_27 = arith.constant 0 : index
    %get3A_28 = vector.load %arg9[%get3A_26, %get3A_27] : memref<1x64xf32, #tpu.memory_space<vmem>>, vector<1x64xf32>
    %add3A_29 = vector.broadcast %get3A_28 : vector<1x64xf32> to vector<2048x64xf32>
    %add3A_30 = arith.addf %dot_general3A_25, %add3A_29 : vector<2048x64xf32>
    %max3A_31 = arith.constant 0.000000e+00 : f32
    %max3A_32 = vector.broadcast %max3A_31 : f32 to vector<2048x64xf32>
    %max3A_33 = arith.maximumf %add3A_30, %max3A_32 : vector<2048x64xf32>
    %get3A_34 = arith.constant 0 : index
    %get3A_35 = arith.constant 0 : index
    %get3A_36 = vector.load %arg10[%get3A_34, %get3A_35] : memref<64x32xf32, #tpu.memory_space<vmem>>, vector<64x32xf32>
    %dot_general3A_37 = arith.constant dense<0.000000e+00> : vector<2048x32xf32>
    %dot_general3A_38 = tpu.matmul %max3A_33, %get3A_36, %dot_general3A_37 {dimension_numbers = #tpu.dot_dimension_numbers<[1], [0], [0], [1], [0, 0, 1, 1], [], []>, transpose_lhs_hint = false} : vector<2048x64xf32>, vector<64x32xf32>, vector<2048x32xf32> -> vector<2048x32xf32>
    %get3A_39 = arith.constant 0 : index
    %get3A_40 = arith.constant 0 : index
    %get3A_41 = vector.load %arg11[%get3A_39, %get3A_40] : memref<1x32xf32, #tpu.memory_space<vmem>>, vector<1x32xf32>
    %add3A_42 = vector.broadcast %get3A_41 : vector<1x32xf32> to vector<2048x32xf32>
    %add3A_43 = arith.addf %dot_general3A_38, %add3A_42 : vector<2048x32xf32>
    %max3A_44 = arith.constant 0.000000e+00 : f32
    %max3A_45 = vector.broadcast %max3A_44 : f32 to vector<2048x32xf32>
    %max3A_46 = arith.maximumf %add3A_43, %max3A_45 : vector<2048x32xf32>
    %get3A_47 = arith.constant 0 : index
    %get3A_48 = arith.constant 0 : index
    %get3A_49 = vector.load %arg3[%get3A_47, %get3A_48] : memref<2048x32xf32, #tpu.memory_space<vmem>>, vector<2048x32xf32>
    %get3A_50 = arith.constant 0 : index
    %get3A_51 = arith.constant 0 : index
    %get3A_52 = vector.load %arg4[%get3A_50, %get3A_51] : memref<2048x32xf32, #tpu.memory_space<vmem>>, vector<2048x32xf32>
    %mul3A = arith.mulf %get3A_49, %get3A_52 : vector<2048x32xf32>
    %get3A_53 = arith.constant 0 : index
    %get3A_54 = arith.constant 0 : index
    %get3A_55 = vector.load %arg12[%get3A_53, %get3A_54] : memref<1x32xf32, #tpu.memory_space<vmem>>, vector<1x32xf32>
    %mul3A_56 = vector.broadcast %get3A_55 : vector<1x32xf32> to vector<2048x32xf32>
    %mul3A_57 = arith.mulf %mul3A, %mul3A_56 : vector<2048x32xf32>
    %reduce_sum3A = arith.constant dense<0.000000e+00> : vector<2048xf32>
    %reduce_sum3A_58 = vector.multi_reduction <add>, %mul3A_57, %reduce_sum3A [1] : vector<2048x32xf32> to vector<2048xf32>
    %get3A_59 = arith.constant 0 : index
    %get3A_60 = arith.constant 0 : index
    %get3A_61 = vector.load %arg13[%get3A_59, %get3A_60] : memref<1x32xf32, #tpu.memory_space<vmem>>, vector<1x32xf32>
    %mul3A_62 = vector.broadcast %get3A_61 : vector<1x32xf32> to vector<2048x32xf32>
    %mul3A_63 = arith.mulf %max3A_46, %mul3A_62 : vector<2048x32xf32>
    %reduce_sum3A_64 = arith.constant dense<0.000000e+00> : vector<2048xf32>
    %reduce_sum3A_65 = vector.multi_reduction <add>, %mul3A_63, %reduce_sum3A_64 [1] : vector<2048x32xf32> to vector<2048xf32>
    %add3A_66 = arith.addf %reduce_sum3A_58, %reduce_sum3A_65 : vector<2048xf32>
    %get3A_67 = arith.constant 0 : index
    %get3A_68 = arith.constant 0 : index
    %get3A_69 = vector.load %arg14[%get3A_67, %get3A_68] : memref<1x1xf32, #tpu.memory_space<vmem>>, vector<1x1xf32>
    %get3A_70 = vector.extract %get3A_69[0, 0] : f32 from vector<1x1xf32>
    %add3A_71 = vector.broadcast %get3A_70 : f32 to vector<2048xf32>
    %add3A_72 = arith.addf %add3A_66, %add3A_71 : vector<2048xf32>
    %neg3A = arith.constant 0.000000e+00 : f32
    %neg3A_73 = vector.broadcast %neg3A : f32 to vector<2048xf32>
    %neg3A_74 = arith.subf %neg3A_73, %add3A_72 : vector<2048xf32>
    %exp3A = math.exp %neg3A_74 : vector<2048xf32>
    %add3A_75 = arith.constant 1.000000e+00 : f32
    %add3A_76 = vector.broadcast %add3A_75 : f32 to vector<2048xf32>
    %add3A_77 = arith.addf %add3A_76, %exp3A : vector<2048xf32>
    %div3A = arith.constant 1.000000e+00 : f32
    %div3A_78 = vector.broadcast %div3A : f32 to vector<2048xf32>
    %div3A_79 = arith.divf %div3A_78, %add3A_77 : vector<2048xf32>
    %swap3A = arith.constant 0 : index
    %swap3A_80 = vector.load %arg15[%swap3A] : memref<2048xf32, #tpu.memory_space<vmem>>, vector<2048xf32>
    tpu.vector_store %arg15[%swap3A], %div3A_79 {strides = array<i32>} : memref<2048xf32, #tpu.memory_space<vmem>>, vector<2048xf32>,
    return
  }
  func.func @transform_0(%arg0: i32) -> (i32, i32) {
    %c0_i32 = arith.constant 0 : i32
    %c0_i32_0 = arith.constant 0 : i32
    return %arg0, %c0_i32 : i32, i32
  }
  func.func @transform_1(%arg0: i32) -> (i32, i32) {
    %c0_i32 = arith.constant 0 : i32
    %c0_i32_0 = arith.constant 0 : i32
    return %arg0, %c0_i32 : i32, i32
  }
  func.func @transform_2(%arg0: i32) -> (i32, i32) {
    %c0_i32 = arith.constant 0 : i32
    %c0_i32_0 = arith.constant 0 : i32
    return %arg0, %c0_i32 : i32, i32
  }
  func.func @transform_3(%arg0: i32) -> (i32, i32) {
    %c0_i32 = arith.constant 0 : i32
    %c0_i32_0 = arith.constant 0 : i32
    return %arg0, %c0_i32 : i32, i32
  }
  func.func @transform_4(%arg0: i32) -> (i32, i32) {
    %c0_i32 = arith.constant 0 : i32
    %c0_i32_0 = arith.constant 0 : i32
    %c0_i32_1 = arith.constant 0 : i32
    return %c0_i32, %c0_i32_0 : i32, i32
  }
  func.func @transform_5(%arg0: i32) -> (i32, i32) {
    %c0_i32 = arith.constant 0 : i32
    %c0_i32_0 = arith.constant 0 : i32
    %c0_i32_1 = arith.constant 0 : i32
    return %c0_i32, %c0_i32_0 : i32, i32
  }
  func.func @transform_6(%arg0: i32) -> (i32, i32) {
    %c0_i32 = arith.constant 0 : i32
    %c0_i32_0 = arith.constant 0 : i32
    %c0_i32_1 = arith.constant 0 : i32
    return %c0_i32, %c0_i32_0 : i32, i32
  }
  func.func @transform_7(%arg0: i32) -> (i32, i32) {
    %c0_i32 = arith.constant 0 : i32
    %c0_i32_0 = arith.constant 0 : i32
    %c0_i32_1 = arith.constant 0 : i32
    return %c0_i32, %c0_i32_0 : i32, i32
  }
  func.func @transform_8(%arg0: i32) -> (i32, i32) {
    %c0_i32 = arith.constant 0 : i32
    %c0_i32_0 = arith.constant 0 : i32
    %c0_i32_1 = arith.constant 0 : i32
    return %c0_i32, %c0_i32_0 : i32, i32
  }
  func.func @transform_9(%arg0: i32) -> (i32, i32) {
    %c0_i32 = arith.constant 0 : i32
    %c0_i32_0 = arith.constant 0 : i32
    %c0_i32_1 = arith.constant 0 : i32
    return %c0_i32, %c0_i32_0 : i32, i32
  }
  func.func @transform_10(%arg0: i32) -> (i32, i32) {
    %c0_i32 = arith.constant 0 : i32
    %c0_i32_0 = arith.constant 0 : i32
    %c0_i32_1 = arith.constant 0 : i32
    return %c0_i32, %c0_i32_0 : i32, i32
  }
  func.func @transform_11(%arg0: i32) -> (i32, i32) {
    %c0_i32 = arith.constant 0 : i32
    %c0_i32_0 = arith.constant 0 : i32
    %c0_i32_1 = arith.constant 0 : i32
    return %c0_i32, %c0_i32_0 : i32, i32
  }
  func.func @transform_12(%arg0: i32) -> (i32, i32) {
    %c0_i32 = arith.constant 0 : i32
    %c0_i32_0 = arith.constant 0 : i32
    %c0_i32_1 = arith.constant 0 : i32
    return %c0_i32, %c0_i32_0 : i32, i32
  }
  func.func @transform_13(%arg0: i32) -> (i32, i32) {
    %c0_i32 = arith.constant 0 : i32
    %c0_i32_0 = arith.constant 0 : i32
    %c0_i32_1 = arith.constant 0 : i32
    return %c0_i32, %c0_i32_0 : i32, i32
  }
  func.func @transform_14(%arg0: i32) -> i32 {
    %c0_i32 = arith.constant 0 : i32
    return %arg0 : i32
  }
}

</mosaic_0001>

<sc_bundles>
// kernel: kernel.4.cloned.1.call-start
scs
__scs_entry_jumppad:
0x0: {  	(pc) =	sbr.rel $0x88, $3  }
0x1: {  	(tag) =	ssettag $0x0;
	lr =	simm.s32 $0x1  }
0x2: {  	[smem:$0x3F93] =	sst lr;
	_ =	strace $0xD0000000  }
0x3: {  	_ = 	snop  }
0x4: {  	_ = 	snop  }
0x5: {  	_ = 	snop  }
0x6: {  	_ = 	snop  }
0x7: {  	_ = 	snop  }
__scs_overlays_trampoline_lowered:
0x8: {  	[smem:$0x3FA2] =	sst s0  }
0x9: {  	[smem:$0x3FA3] =	sst s1  }
0xa: {  	[smem:$0x3FA4] =	sst s2  }
0xb: {  	[smem:$0x3FA5] =	sst s3  }
0xc: {  	[smem:$0x3FA6] =	sst s4  }
0xd: {  	[smem:$0x3FA7] =	sst s5  }
0xe: {  	[smem:$0x3FA8] =	sst s6  }
0xf: {  	[smem:$0x3FA9] =	sst s7  }
0x10: {  	[smem:$0x3FAA] =	sst s8  }
0x11: {  	[smem:$0x3FAB] =	sst s9;
	s0 =	simm.s32 @!p0 $0x0  }
0x12: {  	s1 =	sld [smem:$0x3F91];
	s0 =	simm.s32 @p0 $0x1  }
0x13: {  	[smem:$0x3FAC] =	sst s0;
	s0 =	simm.s32 @!p1 $0x0  }
0x14: {  	s2 =	sld [smem:$0x3F90];
	s0 =	simm.s32 @p1 $0x1  }
0x15: {  	[smem:$0x3FAD] =	sst s0;
	s0 =	simm.s32 @!p2 $0x0  }
0x16: {  	s3 =	sld [smem:$0x3FDB];
	s0 =	simm.s32 @p2 $0x1  }
0x17: {  	s4 =	simm.s32 $0x1BF5;
	[smem:$0x3FAF] =	sst s0  }
0x18: {  	s0 =	sld [smem:$0x3F92];
	_ =	swait.ge [sflag:s4], $0x0  }
0x19: {  	s7 =	sld [smem:$0x3F93]  }
0x1a: {  	s8 =	sadd.s32 $0xFFFFE003, lr  }
0x1b: {  	s9 =	sadd.s32 $0xFFFFFEF7, lr;
	s5 =	simm.s32 $0xFFFFFFFF;
	p2 =	slt.u32 s8, $0xFFFFF086  }
0x1c: {  	p1 =	slt.u32 s9, $0xF7A;
	s5 =	simm.s32 @!p2 $0x0  }
0x1d: {  	s5 =	simm.s32 @p1 $0x1;
	p0 =	seq.s32 s7, s2  }
0x1e: {  	s7 =	smul.u32 @!p0 $0xF7A, s2;
	p2 =	seq.s32 @!p0 s5, $0x0  }
0x1f: {  	s9 =	smul.u32 $0xF7A, s1;
	s8 =	simm.s32 @!p0 $0x1BF5;
	p2 =	por !p2, p0  }
0x20: {  	[sflag:s8] =	ssyncset.s32 @!p0 $0xFFFFF086;
	s6 =	sadd.s32 @!p0 s3, s7;
	s7 =	simm.s32 @!p0 $0x108  }
0x21: {  	s3 =	sadd.s32 s3, s9;
	s6 =	sadd.s32 @!p0 $0x88, s6;
	s7 =	simm.s32 @p2 $0x1082  }
0x22: {  	[simem:s7], [sflag:s8] =	dma.local @!p0 [hbm:s6], $0xF7A  }
0x23: {  	s9 =	sor.u32 $0xD0000000, s2;
	s6 =	simm.s32 $0x108;
	_ =	swait.ge @!p0 [sflag:s8], $0x0  }
0x24: {  	s3 =	sadd.s32 $0x88, s3;
	s6 =	simm.s32 @!p1 $0x1082;
	[sflag:s4] =	ssyncset.s32 $0xFFFFF086  }
0x25: {  	[simem:s6], [sflag:s4] =	dma.local [hbm:s3], $0xF7A  }
0x26: {  	[smem:$0x3F93] =	sst s1;
	(tag) =	ssettag s2;
	_ =	strace s9  }
0x27: {  	s1 =	sld [smem:$0x3FA3]  }
0x28: {  	s2 =	sld [smem:$0x3FA4]  }
0x29: {  	s4 =	sld [smem:$0x3FA6]  }
0x2a: {  	p0 =	seq.s32 s5, $0x0;
	s5 =	sld [smem:$0x3FA7]  }
0x2b: {  	s6 =	sld [smem:$0x3FA8]  }
0x2c: {  	s7 =	sld [smem:$0x3FA9]  }
0x2d: {  	s3 =	simm.s32 $0x108;
	s8 =	sld [smem:$0x3FAA]  }
0x2e: {  	s3 =	simm.s32 @!p0 $0x1082;
	s9 =	sld [smem:$0x3FAB]  }
0x2f: {  	lr =	sadd.s32 s0, s3;
	s0 =	sld [smem:$0x3FA2]  }
0x30: {  	s3 =	sld [smem:$0x3FA5]  }
0x31: {  	[smem:$0x3FAE] =	sst s10  }
0x32: {  	s10 =	sld [smem:$0x3FAC];
	_ =	sdelay $0x3  }
0x33: {  	p0 =	seq.s32 s10, $0x1;
	s10 =	sld [smem:$0x3FAE];
	_ =	sdelay $0x3  }
0x34: {  	[smem:$0x3FAE] =	sst s10  }
0x35: {  	s10 =	sld [smem:$0x3FAD];
	_ =	sdelay $0x3  }
0x36: {  	p1 =	seq.s32 s10, $0x1;
	s10 =	sld [smem:$0x3FAE];
	_ =	sdelay $0x3  }
0x37: {  	[smem:$0x3FAE] =	sst s10  }
0x38: {  	s10 =	sld [smem:$0x3FAF]  }
0x39: {  	_ = 	snop;
	(pc) =	sbr.ind lr, $3  }
0x3a: {  	_ = 	snop  }
0x3b: {  	_ = 	snop  }
0x3c: {  	p2 =	seq.s32 s10, $0x1;
	s10 =	sld [smem:$0x3FAE]  }
0x3d: {  	_ =	shalt  }
0x3e: {  	_ =	shalt  }
0x3f: {  	_ =	shalt  }
0x40: {  	_ =	shalt  }
0x41: {  	_ =	shalt  }
0x42: {  	_ =	shalt  }
0x43: {  	_ =	shalt  }
0x44: {  	_ =	shalt  }
0x45: {  	_ =	shalt  }
0x46: {  	_ =	shalt  }
0x47: {  	_ =	shalt  }
0x48: {  	_ =	shalt  }
0x49: {  	_ =	shalt  }
0x4a: {  	_ =	shalt  }
0x4b: {  	_ =	shalt  }
0x4c: {  	_ =	shalt  }
0x4d: {  	_ =	shalt  }
0x4e: {  	_ =	shalt  }
0x4f: {  	_ =	shalt  }
0x50: {  	_ =	shalt  }
0x51: {  	_ =	shalt  }
0x52: {  	_ =	shalt  }
0x53: {  	_ =	shalt  }
0x54: {  	_ =	shalt  }
0x55: {  	_ =	shalt  }
0x56: {  	_ =	shalt  }
0x57: {  	_ =	shalt  }
0x58: {  	_ =	shalt  }
0x59: {  	_ =	shalt  }
0x5a: {  	_ =	shalt  }
0x5b: {  	_ =	shalt  }
0x5c: {  	_ =	shalt  }
0x5d: {  	_ =	shalt  }
0x5e: {  	_ =	shalt  }
0x5f: {  	_ =	shalt  }
0x60: {  	_ =	shalt  }
0x61: {  	_ =	shalt  }
0x62: {  	_ =	shalt  }
0x63: {  	_ =	shalt  }
0x64: {  	_ =	shalt  }
0x65: {  	_ =	shalt  }
0x66: {  	_ =	shalt  }
0x67: {  	_ =	shalt  }
0x68: {  	_ =	shalt  }
0x69: {  	_ =	shalt  }
0x6a: {  	_ =	shalt  }
0x6b: {  	_ =	shalt  }
0x6c: {  	_ =	shalt  }
0x6d: {  	_ =	shalt  }
0x6e: {  	_ =	shalt  }
0x6f: {  	_ =	shalt  }
0x70: {  	_ =	shalt  }
0x71: {  	_ =	shalt  }
0x72: {  	_ =	shalt  }
0x73: {  	_ =	shalt  }
0x74: {  	_ =	shalt  }
0x75: {  	_ =	shalt  }
0x76: {  	_ =	shalt  }
0x77: {  	_ =	shalt  }
0x78: {  	_ =	shalt  }
0x79: {  	_ =	shalt  }
0x7a: {  	_ =	shalt  }
0x7b: {  	_ =	shalt  }
0x7c: {  	_ =	shalt  }
0x7d: {  	_ =	shalt  }
0x7e: {  	_ =	shalt  }
0x7f: {  	_ =	shalt  }
0x80: {  	_ =	shalt  }
0x81: {  	_ =	shalt  }
0x82: {  	_ =	shalt  }
0x83: {  	_ =	shalt  }
0x84: {  	_ =	shalt  }
0x85: {  	_ =	shalt  }
0x86: {  	_ =	shalt  }
0x87: {  	_ =	shalt  }
.Lfunc_end0:
.L_simem_size_0:
called_computation_lowered:
.L_overlay_start_0:
0x88: {  	s2 =	sld [smem:$0x3FD9]  }
0x89: {  	s3 =	sld [smem:$0x3FFE];
	_ =	sdelay $0x1  }
0x8a: {  	s1 =	srdreg.scid  }
0x8b: {  	s0 =	sand.u32 $0x1, s1  }
0x8c: {  	s17 =	sshll.u32 s0, $0xA;
	s2 =	sadd.s32 s3, s2  }
0x8d: {  	s2 =	sadd.s32 s2, s17  }
0x8e: {  	[smem:$0x3FBA] =	sst s2  }
0x8f: {  	_ = 	snop  }
0x90: {  	s2 =	sld [smem:$0x3FC9]  }
0x91: {  	s18 =	sld [smem:$0x3FC8]  }
0x92: {  	s4 =	sld [smem:$0x3FC5]  }
0x93: {  	s5 =	sld [smem:$0x3FC4];
	(tm) =	ssettm $0x1  }
0x94: {  	s6 =	sld [smem:$0x3FFB];
	_ =	sdelay $0x3  }
0x95: {  	_ =	strace s6  }
0x96: {  	s6 =	sld [smem:$0x3FFC];
	_ =	sdelay $0x3  }
0x97: {  	_ =	strace s6  }
0x98: {  	s6 =	sld [smem:$0x3FFD];
	_ =	sdelay $0x3  }
0x99: {  	_ =	strace s6  }
0x9a: {  	_ =	strace $0x8FFFFFFF  }
0x9b: {  	s19 =	sld [smem:$0x3FDB];
	_ =	sdelay $0x1  }
0x9c: {  	s7 =	simm.s32 $_scs_section_size  }
0x9d: {  	s8 =	simm.s32 $_size__tile_overlayer_lowered;
	s9 =	simm.s32 $_tile_overlayer_lowered  }
0x9e: {  	s22 =	simm.s32 $0x1BFF;
	s21 =	sshll.u32 s9, $0x1;
	s6 =	sadd.s32 s7, s19  }
0x9f: {  	s10 =	simm.s32 $0x0;
	s20 =	sshll.u32 s8, $0x1;
	s8 =	sadd.s32 s21, s6  }
0xa0: {  	[timem:s10], [sflag:s22] =	dma.local [hbm:s8], s20  }
0xa1: {  	_ =	swait.ge [sflag:s22], s20  }
0xa2: {  	s7 =	ssub.s32 $0x0, s20;
	[sflag:s22] =	ssyncset.done $0x0  }
0xa3: {  	[sflag:s22] =	ssyncadd.s32 s7;
	_ =	sdelay $0x1  }
0xa4: {  	s23 =	simm.s32 $0x1B8B  }
0xa5: {  	_ =	swait.ge [sflag:s23], $0x1  }
0xa6: {  	[sflag:s23] =	ssyncset.done $0x0  }
0xa7: {  	s25 =	simm.s32 $0x1B8E;
	s24 =	sld [smem:$0x3FFE];
	[sflag:s23] =	ssyncadd.s32 $0xFFFFFFFF  }
0xa8: {  	s26 =	simm.s32 $execute0_lowered;
	[smem:$0x3FD2] =	sst s25  }
0xa9: {  	s8 =	sshll.u32 s26, $0x1;
	_ =	strace $0x80000046;
	[dreg:$0x1] =	wrdreg $0xFFFFFFFF  }
0xaa: {  	s28 =	simm.s32 $_size_execute0_lowered;
	s6 =	sadd.s32 s6, s8;
	[dreg:$0x0] =	wrdreg $0x0  }
0xab: {  	s8 =	sshll.u32 s28, $0x1;
	[dreg:$0x2] =	wrdreg s6  }
0xac: {  	[dreg:$0x3] =	wrdreg s8  }
0xad: {  	[dreg:$0x4] =	wrdreg $0xC0  }
0xae: {  	_ =	task [dreg:s10], $0x5FFFF  }
0xaf: {  	[dreg:$0x1] =	wrdreg $0xFFFFFFFF  }
0xb0: {  	[dreg:$0x0] =	wrdreg $0x60  }
0xb1: {  	[dreg:$0x2] =	wrdreg s2  }
0xb2: {  	[dreg:$0x3] =	wrdreg s18  }
0xb3: {  	[dreg:$0x4] =	wrdreg s4  }
0xb4: {  	[dreg:$0x5] =	wrdreg s5  }
0xb5: {  	[dreg:$0x6] =	wrdreg s24  }
0xb6: {  	[dreg:$0x7] =	wrdreg $0x9  }
0xb7: {  	_ =	task.clear_ibuf [dreg:s10], $0x8FFFF;
	_ =	strace $0x90000046  }
0xb8: {  	s29 =	simm.s32 $0x9;
	_ =	strace $0x80000048  }
0xb9: {  	_ =	swait.ge [sflag:s29], $0x1  }
0xba: {  	[sflag:s29] =	ssyncadd.s32 $0xFFFFFFFF  }
0xbb: {  	_ =	strace $0x90000048  }
0xbc: {  	_ =	sfence  }
0xbd: {  	s30 =	sld [smem:$0x0];
	_ =	sdelay $0x2  }
0xbe: {  	s31 =	sshll.u32 s1, $0xD;
	s1 =	sshrl.u32 s1, $0x2  }
0xbf: {  	s3 =	sand.u32 $0x4000, s31;
	s1 =	sadd.s32 s1, s30  }
0xc0: {  	s0 =	sor.u32 s3, s0;
	s1 =	sshll.u32 s1, $0x11  }
0xc1: {  	s0 =	sor.u32 s1, s0  }
0xc2: {  	s0 =	sadd.s32 $0x8F2B, s0  }
0xc3: {  	[sflag:s0] =	ssyncadd.remote.s32 $0x1  }
0xc4: {  	_ =	sfence.sel $0xFFFF  }
0xc5: {  	[dreg:$0x0] =	wrdreg $0xFFFFFFFF;
	(pc) =	sbr.abs _section_cstart, $3  }
0xc6: {  	[dreg:$0x1] =	wrdreg $0xFFFFFFFF  }
0xc7: {  	_ =	task.clear_ibuf [dreg:s10], $0x2FFFF;
	_ =	strace $0x9FFFFFFF  }
0xc8: {  	(tm) =	ssettm $0x7FFFFFFF  }
0xc9: {  	_ =	shalt  }
tec
execute0_lowered:
.L_overlay_start_1:
0x0: {  	(tag) =	ssettag $0x1  }
0x1: {  	s0 =	rddreg [dreg:$0x0]  }
0x2: {  	s4 =	rddreg [dreg:$0x1]  }
0x3: {  	s7 =	rddreg [dreg:$0x4];
	s6 =	srdreg.scid  }
0x4: {  	s3 =	simm.s32 $0x0;
	s1 =	stileid.u32;
	s8 =	sand.u32 $0x1, s6  }
0x5: {  	[smem:$0x7FF] =	sst s3;
	s9 =	sshll.u32 s1, $0xA;
	s10 =	sshll.u32 s8, $0x9  }
0x6: {  	s5 =	sadd.s32 $0x2000, s7;
	s6 =	sadd.s32 $0x188A00, s7;
	s9 =	sor.u32 s10, s9  }
0x7: {  	s11 =	sadd.s32 $0x30F400, s7;
	s12 =	sshll.u32 s9, $0x4;
	s9 =	sshrl.u32 s9, $0x3  }
0x8: {  	s14 =	sadd.s32 $0x34F400, s7;
	_ =	strace $0x80000047;
	s0 =	sadd.s32 s0, s9  }
0x9: {  	s8 =	ssub.s32 $0x2, s8;
	s15 =	sadd.s32 s4, s9;
	[dreg:$0x6] =	wrdreg s0  }
0xa: {  	s13 =	sshrl.u32 s8, $0x1;
	s17 =	sadd.s32 s11, s12;
	[dreg:$0x7] =	wrdreg s15  }
0xb: {  	s8 =	ssub.s32 s8, s13;
	s24 =	sadd.s32 s14, s12;
	[dreg:$0x8] =	wrdreg s17  }
0xc: {  	s16 =	sor.u32 $0x800, s12;
	s31 =	smax.u32 s8, $0x1;
	[dreg:$0xd] =	wrdreg s24  }
0xd: {  	s19 =	sor.u32 $0x1000, s12;
	s18 =	sadd.s32 s11, s16;
	[dreg:$0x12] =	wrdreg s31  }
0xe: {  	s7 =	sadd.s32 s12, s7;
	s20 =	sadd.s32 s11, s19;
	[dreg:$0x9] =	wrdreg s18  }
0xf: {  	s22 =	sor.u32 $0x1800, s12;
	s21 =	sadd.s32 $0x38F400, s7;
	[dreg:$0xa] =	wrdreg s20  }
0x10: {  	s23 =	sadd.s32 s11, s22;
	[dreg:$0xb] =	wrdreg s21  }
0x11: {  	s2 =	simm.s32 $0x80;
	s0 =	sadd.s32 s14, s16;
	[dreg:$0xc] =	wrdreg s23  }
0x12: {  	s29 =	simm.s32 $0x2;
	s25 =	sadd.s32 s14, s19;
	[dreg:$0xe] =	wrdreg s0  }
0x13: {  	s30 =	simm.s32 $0x4;
	s26 =	sadd.s32 s14, s22;
	[dreg:$0xf] =	wrdreg s25  }
0x14: {  	s28 =	sadd.s32 $0x3CF400, s7;
	s24 =	simm.s32 $0x4400;
	[dreg:$0x10] =	wrdreg s26  }
0x15: {  	[dreg:$0x11] =	wrdreg s28;
	s20 =	simm.s32 $0x6;
	s23 =	simm.s32 $0x400  }
0x16: {  	s25 =	simm.s32 $0x1;
	s26 =	simm.s32 $0x3;
	s21 =	simm.s32 $0x0  }
.LBB2_1:
0x17: {  	s0 =	rddreg [dreg:$0x6]  }
0x18: {  	[tilespmem:s3], [sflag:$0x6] =	stream.linear.gather [hbm4b:s0+s3], $0x200, $0x38;
	[tilespmem:$0x18400] =	vst v63  }
0x19: {  	_ =	swait.ge [sflag:s20], $0x200  }
0x1a: {  	[sflag:s20] =	ssyncset.done $0x0  }
0x1b: {  	s1 =	simm.s32 $0x200;
	s19 =	rddreg [dreg:$0x7];
	[sflag:s20] =	ssyncadd.s32 $0xFFFFFE00  }
0x1c: {  	[tilespmem:s1], [sflag:$0x6] =	stream.linear.gather [hbm4b:s19+s3], $0x200, $0x38;
	[tilespmem:$0x18400] =	vst v63  }
0x1d: {  	_ =	swait.ge [sflag:s20], $0x200  }
0x1e: {  	[sflag:s20] =	ssyncset.done $0x0  }
0x1f: {  	[sflag:s20] =	ssyncadd.s32 $0xFFFFFE00  }
0x20: {  	s22 =	rddreg [dreg:$0x2]  }
0x21: {  	[tilespmem:s23], [sflag:$0x1] =	stream.indirect.gather [hbm4b:s22+s2], $0x80, s3, s2, $0xb8;
	[tilespmem:$0x18400] =	vst v63  }
0x22: {  	v0 =	vld [tilespmem:s3+$0x0];
	_ =	sdelay $0x4  }
0x23: {  	v0 =	vshll.u32 v0, $0x4  }
0x24: {  	(v2sf) =	vpush v0, $0x0  }
0x25: {  	(v2sf) =	vpush v0, $0x1  }
0x26: {  	(v2sf) =	vpush v0, $0x2;
	_ =	sdelay $0x1  }
0x27: {  	(v2sf) =	vpush v0, $0x4;
	_ =	sdelay $0x1  }
0x28: {  	(v2sf) =	vpush v0, $0x3  }
0x29: {  	(v2sf) =	vpush v0, $0x5  }
0x2a: {  	s31 =	simm.s32 $0x2000;
	s28 =	simm.s32 $0x0;
	s7 =	simm.s32 $0x0;
	(v2sf) =	vpush v0, $0x6  }
.LBB2_2:
0x2b: {  	p0 =	sne.s32 s31, $0x3E000  }
0x2c: {  	s17 =	sadd.s32 $0x8480, s28;
	s11 =	sadd.s32 $0x8980, s28;
	s8 =	smov.u32 s31  }
0x2d: {  	s31 =	sadd.s32 $0x2000, s31;
	s14 =	sadd.s32 $0x8780, s28;
	s9 =	sadd.s32 $0x8A00, s28;
	(v2sf) =	vpush v0, $0x7  }
0x2e: {  	s16 =	sadd.s32 $0x8680, s28;
	s13 =	sadd.s32 $0x8800, s28;
	s10 =	sadd.s32 $0x8A80, s28  }
0x2f: {  	s18 =	sadd.s32 $0x8400, s28;
	s19 =	sadd.s32 $0x8600, s28;
	(v2sf) =	vpush v0, $0x8  }
0x30: {  	s4 =	sadd.s32 $0x8700, s28;
	s7 =	sadd.s32 $0x10, s7  }
0x31: {  	s1 =	sadd.s32 $0x8500, s28;
	s12 =	sadd.s32 $0x8900, s28;
	s15 =	spop (v2sf);
	(v2sf) =	vpush v0, $0x9  }
0x32: {  	s2 =	sand.u32 $0x1FFFFFF0, s15;
	s15 =	sadd.s32 $0x8880, s28;
	s0 =	spop (v2sf)  }
0x33: {  	s2 =	sadd.s32 s5, s2;
	s0 =	sand.u32 $0x1FFFFFF0, s0;
	s22 =	spop (v2sf);
	(v2sf) =	vpush v0, $0xA  }
0x34: {  	[tilespmem:s18], [sflag:$0x5] =	stream.linear.gather [hbm4b:s2+s3], $0x80, $0x38;
	[tilespmem:$0x18400] =	vst v63  }
0x35: {  	s0 =	sadd.s32 s5, s0;
	s2 =	sadd.s32 $0x8580, s28;
	s18 =	spop (v2sf);
	(v2sf) =	vpush v0, $0xB  }
0x36: {  	[tilespmem:s17], [sflag:$0x5] =	stream.linear.gather [hbm4b:s0+s3], $0x80, $0x38;
	[tilespmem:$0x18400] =	vst v63  }
0x37: {  	s0 =	sand.u32 $0x1FFFFFF0, s22;
	s17 =	sand.u32 $0x1FFFFFF0, s18;
	s18 =	spop (v2sf);
	(v2sf) =	vpush v0, $0xC  }
0x38: {  	s0 =	sadd.s32 s5, s0;
	s18 =	sand.u32 $0x1FFFFFF0, s18;
	s22 =	spop (v2sf)  }
0x39: {  	[tilespmem:s1], [sflag:$0x5] =	stream.linear.gather [hbm4b:s0+s3], $0x80, $0x38;
	(v2sf) =	vpush v0, $0xD;
	[tilespmem:$0x18400] =	vst v63  }
0x3a: {  	s0 =	sadd.s32 s5, s18;
	s1 =	sand.u32 $0x1FFFFFF0, s22;
	s18 =	spop (v2sf)  }
0x3b: {  	[tilespmem:s2], [sflag:$0x5] =	stream.linear.gather [hbm4b:s0+s3], $0x80, $0x38;
	(v2sf) =	vpush v0, $0xE;
	[tilespmem:$0x18400] =	vst v63  }
0x3c: {  	s0 =	sadd.s32 s5, s17;
	s2 =	sand.u32 $0x1FFFFFF0, s18;
	s17 =	spop (v2sf)  }
0x3d: {  	[tilespmem:s19], [sflag:$0x5] =	stream.linear.gather [hbm4b:s0+s3], $0x80, $0x38;
	(v2sf) =	vpush v0, $0xF;
	[tilespmem:$0x18400] =	vst v63  }
0x3e: {  	s0 =	sadd.s32 s5, s1;
	s1 =	sand.u32 $0x1FFFFFF0, s17;
	s17 =	spop (v2sf)  }
0x3f: {  	[tilespmem:s16], [sflag:$0x5] =	stream.linear.gather [hbm4b:s0+s3], $0x80, $0x38;
	[tilespmem:$0x18400] =	vst v63  }
0x40: {  	s0 =	sadd.s32 s5, s2;
	s2 =	sand.u32 $0x1FFFFFF0, s17;
	s16 =	spop (v2sf)  }
0x41: {  	[tilespmem:s4], [sflag:$0x5] =	stream.linear.gather [hbm4b:s0+s3], $0x80, $0x38;
	[tilespmem:$0x18400] =	vst v63  }
0x42: {  	s0 =	sadd.s32 s5, s1;
	s1 =	sand.u32 $0x1FFFFFF0, s16;
	s4 =	spop (v2sf)  }
0x43: {  	[tilespmem:s14], [sflag:$0x5] =	stream.linear.gather [hbm4b:s0+s3], $0x80, $0x38;
	[tilespmem:$0x18400] =	vst v63  }
0x44: {  	s0 =	sadd.s32 s5, s2;
	s2 =	sand.u32 $0x1FFFFFF0, s4;
	s4 =	spop (v2sf)  }
0x45: {  	[tilespmem:s13], [sflag:$0x5] =	stream.linear.gather [hbm4b:s0+s3], $0x80, $0x38;
	[tilespmem:$0x18400] =	vst v63  }
0x46: {  	s0 =	sadd.s32 s5, s1;
	s1 =	sand.u32 $0x1FFFFFF0, s4;
	s4 =	spop (v2sf)  }
0x47: {  	[tilespmem:s15], [sflag:$0x5] =	stream.linear.gather [hbm4b:s0+s3], $0x80, $0x38;
	[tilespmem:$0x18400] =	vst v63  }
0x48: {  	s0 =	sadd.s32 s5, s2;
	s2 =	sand.u32 $0x1FFFFFF0, s4;
	s4 =	spop (v2sf)  }
0x49: {  	[tilespmem:s12], [sflag:$0x5] =	stream.linear.gather [hbm4b:s0+s3], $0x80, $0x38;
	[tilespmem:$0x18400] =	vst v63  }
0x4a: {  	s0 =	sadd.s32 s5, s1;
	s1 =	sand.u32 $0x1FFFFFF0, s4;
	s4 =	spop (v2sf)  }
0x4b: {  	[tilespmem:s11], [sflag:$0x5] =	stream.linear.gather [hbm4b:s0+s3], $0x80, $0x38;
	[tilespmem:$0x18400] =	vst v63  }
0x4c: {  	s0 =	sadd.s32 s5, s2;
	s2 =	sand.u32 $0x1FFFFFF0, s4;
	s4 =	spop (v2sf)  }
0x4d: {  	[tilespmem:s9], [sflag:$0x5] =	stream.linear.gather [hbm4b:s0+s3], $0x80, $0x38;
	[tilespmem:$0x18400] =	vst v63  }
0x4e: {  	s0 =	sadd.s32 s5, s1;
	s1 =	sand.u32 $0x1FFFFFF0, s4  }
0x4f: {  	[tilespmem:s10], [sflag:$0x5] =	stream.linear.gather [hbm4b:s0+s3], $0x80, $0x38;
	[tilespmem:$0x18400] =	vst v63  }
0x50: {  	s2 =	sadd.s32 s5, s2;
	s0 =	sadd.s32 $0x8B00, s28  }
0x51: {  	[tilespmem:s0], [sflag:$0x5] =	stream.linear.gather [hbm4b:s2+s3], $0x80, $0x38;
	[tilespmem:$0x18400] =	vst v63  }
0x52: {  	s1 =	sadd.s32 s5, s1;
	s0 =	sadd.s32 $0x8B80, s28  }
0x53: {  	[tilespmem:s0], [sflag:$0x5] =	stream.linear.gather [hbm4b:s1+s3], $0x80, $0x38;
	[tilespmem:$0x18400] =	vst v63  }
0x54: {  	v0 =	vld [tilespmem:s7+$0x0];
	_ =	sdelay $0x4  }
0x55: {  	v0 =	vshll.u32 v0, $0x4  }
0x56: {  	(v2sf) =	vpush v0, $0x0  }
0x57: {  	(v2sf) =	vpush v0, $0x1  }
0x58: {  	(v2sf) =	vpush v0, $0x2;
	_ =	sdelay $0x1  }
0x59: {  	(v2sf) =	vpush v0, $0x4  }
.Ltmp0:
0x5a: {  	(pc) =	sbr.rel @p0 .LBB2_2-.Ltmp0, $3  }
0x5b: {  	(v2sf) =	vpush v0, $0x3  }
0x5c: {  	(v2sf) =	vpush v0, $0x5;
	_ =	sdelay $0x1  }
0x5d: {  	s28 =	sshra.s32 s8, $0x2;
	(v2sf) =	vpush v0, $0x6  }
0x5e: {  	_ =	sdelay $0x4  }
0x5f: {  	s2 =	sadd.s32 $0x8400, s28;
	s0 =	spop (v2sf)  }
0x60: {  	s12 =	sadd.s32 $0x8480, s28;
	(v2sf) =	vpush v0, $0x7;
	s0 =	sand.u32 $0x1FFFFFF0, s0;
	s1 =	spop (v2sf)  }
0x61: {  	s0 =	sadd.s32 s5, s0;
	s1 =	sand.u32 $0x1FFFFFF0, s1;
	s13 =	spop (v2sf)  }
0x62: {  	[tilespmem:s2], [sflag:$0x5] =	stream.linear.gather [hbm4b:s0+s3], $0x80, $0x38;
	[tilespmem:$0x18400] =	vst v63  }
0x63: {  	s1 =	sadd.s32 s5, s1;
	s14 =	sand.u32 $0x1FFFFFF0, s13;
	s16 =	spop (v2sf)  }
0x64: {  	[tilespmem:s12], [sflag:$0x5] =	stream.linear.gather [hbm4b:s1+s3], $0x80, $0x38;
	[tilespmem:$0x18400] =	vst v63  }
0x65: {  	s15 =	sadd.s32 $0x8500, s28;
	s0 =	sadd.s32 s5, s14;
	s17 =	spop (v2sf);
	(v2sf) =	vpush v0, $0x8  }
0x66: {  	[tilespmem:s15], [sflag:$0x5] =	stream.linear.gather [hbm4b:s0+s3], $0x80, $0x38;
	[tilespmem:$0x18400] =	vst v63  }
0x67: {  	s0 =	sand.u32 $0x1FFFFFF0, s17;
	(v2sf) =	vpush v0, $0x9  }
0x68: {  	s18 =	sadd.s32 $0x8580, s28;
	s19 =	sand.u32 $0x1FFFFFF0, s16;
	s0 =	sadd.s32 s5, s0  }
0x69: {  	(v2sf) =	vpush v0, $0xA;
	[tilespmem:s18], [sflag:$0x5] =	stream.linear.gather [hbm4b:s0+s3], $0x80, $0x38;
	[tilespmem:$0x18400] =	vst v63  }
0x6a: {  	s22 =	sadd.s32 $0x8600, s28;
	s2 =	spop (v2sf);
	s0 =	sadd.s32 s5, s19  }
0x6b: {  	[tilespmem:s22], [sflag:$0x5] =	stream.linear.gather [hbm4b:s0+s3], $0x80, $0x38;
	[tilespmem:$0x18400] =	vst v63  }
0x6c: {  	s0 =	sand.u32 $0x1FFFFFF0, s2  }
0x6d: {  	s4 =	sadd.s32 $0x8680, s28;
	s7 =	spop (v2sf);
	s0 =	sadd.s32 s5, s0  }
0x6e: {  	[tilespmem:s4], [sflag:$0x5] =	stream.linear.gather [hbm4b:s0+s3], $0x80, $0x38;
	[tilespmem:$0x18400] =	vst v63  }
0x6f: {  	s9 =	spop (v2sf);
	(v2sf) =	vpush v0, $0xB  }
0x70: {  	s0 =	sand.u32 $0x1FFFFFF0, s7  }
0x71: {  	s8 =	sadd.s32 $0x8700, s28;
	s0 =	sadd.s32 s5, s0  }
0x72: {  	[tilespmem:s8], [sflag:$0x5] =	stream.linear.gather [hbm4b:s0+s3], $0x80, $0x38;
	[tilespmem:$0x18400] =	vst v63  }
0x73: {  	s0 =	sand.u32 $0x1FFFFFF0, s9  }
0x74: {  	s10 =	sadd.s32 $0x8780, s28;
	s0 =	sadd.s32 s5, s0;
	s11 =	spop (v2sf);
	(v2sf) =	vpush v0, $0xC  }
0x75: {  	[tilespmem:s10], [sflag:$0x5] =	stream.linear.gather [hbm4b:s0+s3], $0x80, $0x38;
	[tilespmem:$0x18400] =	vst v63  }
0x76: {  	s13 =	spop (v2sf);
	(v2sf) =	vpush v0, $0xD  }
0x77: {  	s0 =	sand.u32 $0x1FFFFFF0, s11  }
0x78: {  	s12 =	sadd.s32 $0x8800, s28;
	s0 =	sadd.s32 s5, s0;
	s15 =	spop (v2sf)  }
0x79: {  	(v2sf) =	vpush v0, $0xE;
	[tilespmem:s12], [sflag:$0x5] =	stream.linear.gather [hbm4b:s0+s3], $0x80, $0x38;
	[tilespmem:$0x18400] =	vst v63  }
0x7a: {  	s0 =	sand.u32 $0x1FFFFFF0, s13  }
0x7b: {  	s14 =	sadd.s32 $0x8880, s28;
	s0 =	sadd.s32 s5, s0  }
0x7c: {  	[tilespmem:s14], [sflag:$0x5] =	stream.linear.gather [hbm4b:s0+s3], $0x80, $0x38;
	[tilespmem:$0x18400] =	vst v63  }
0x7d: {  	s0 =	sand.u32 $0x1FFFFFF0, s15  }
0x7e: {  	s16 =	sadd.s32 $0x8900, s28;
	s0 =	sadd.s32 s5, s0;
	s17 =	spop (v2sf);
	(v2sf) =	vpush v0, $0xF  }
0x7f: {  	[tilespmem:s16], [sflag:$0x5] =	stream.linear.gather [hbm4b:s0+s3], $0x80, $0x38;
	[tilespmem:$0x18400] =	vst v63  }
0x80: {  	s0 =	sand.u32 $0x1FFFFFF0, s17  }
0x81: {  	s18 =	sadd.s32 $0x8980, s28;
	s0 =	sadd.s32 s5, s0  }
0x82: {  	[tilespmem:s18], [sflag:$0x5] =	stream.linear.gather [hbm4b:s0+s3], $0x80, $0x38;
	[tilespmem:$0x18400] =	vst v63  }
0x83: {  	s19 =	spop (v2sf)  }
0x84: {  	s0 =	sand.u32 $0x1FFFFFF0, s19  }
0x85: {  	s22 =	sadd.s32 $0x8A00, s28;
	s1 =	spop (v2sf);
	s0 =	sadd.s32 s5, s0  }
0x86: {  	[tilespmem:s22], [sflag:$0x5] =	stream.linear.gather [hbm4b:s0+s3], $0x80, $0x38;
	[tilespmem:$0x18400] =	vst v63  }
0x87: {  	s0 =	sand.u32 $0x1FFFFFF0, s1  }
0x88: {  	s2 =	sadd.s32 $0x8A80, s28;
	s4 =	spop (v2sf);
	s0 =	sadd.s32 s5, s0  }
0x89: {  	[tilespmem:s2], [sflag:$0x5] =	stream.linear.gather [hbm4b:s0+s3], $0x80, $0x38;
	[tilespmem:$0x18400] =	vst v63  }
0x8a: {  	s0 =	sand.u32 $0x1FFFFFF0, s4  }
0x8b: {  	s7 =	sadd.s32 $0x8B00, s28;
	s0 =	sadd.s32 s5, s0  }
0x8c: {  	[tilespmem:s7], [sflag:$0x5] =	stream.linear.gather [hbm4b:s0+s3], $0x80, $0x38;
	[tilespmem:$0x18400] =	vst v63  }
0x8d: {  	s8 =	spop (v2sf)  }
0x8e: {  	s0 =	sand.u32 $0x1FFFFFF0, s8  }
0x8f: {  	s9 =	sadd.s32 $0x8B80, s28;
	s0 =	sadd.s32 s5, s0  }
0x90: {  	[tilespmem:s9], [sflag:$0x5] =	stream.linear.gather [hbm4b:s0+s3], $0x80, $0x38;
	[tilespmem:$0x18400] =	vst v63  }
0x91: {  	s10 =	rddreg [dreg:$0x2];
	s4 =	simm.s32 $0x80  }
0x92: {  	[tilespmem:s24], [sflag:$0x2] =	stream.indirect.gather [hbm4b:s10+s4], $0x80, s4, s4, $0xb8;
	[tilespmem:$0x18400] =	vst v63  }
0x93: {  	_ =	swait.ge [sflag:s25], $0x4000  }
0x94: {  	[sflag:s25] =	ssyncset.done $0x0  }
0x95: {  	s11 =	simm.s32 $0x0;
	s12 =	rddreg [dreg:$0x8];
	[sflag:s25] =	ssyncadd.s32 $0xFFFFC000  }
0x96: {  	[hbm4b:s12+s11] =	stream.linear.scatter [tilespmem:s23], [sflag:$0x3], $0x4000, $0x38;
	[tilespmem:$0x18400] =	vst v63  }
0x97: {  	_ =	swait.ge [sflag:s26], $0x4000  }
0x98: {  	[sflag:s26] =	ssyncset.done $0x0  }
0x99: {  	s13 =	simm.s32 $0x100;
	[sflag:s26] =	ssyncadd.s32 $0xFFFFC000  }
0x9a: {  	[tilespmem:s23], [sflag:$0x1] =	stream.indirect.gather [hbm4b:s10+s4], $0x80, s13, s4, $0xb8;
	[tilespmem:$0x18400] =	vst v63  }
0x9b: {  	_ =	swait.ge [sflag:s29], $0x4000  }
0x9c: {  	[sflag:s29] =	ssyncset.done $0x0  }
0x9d: {  	s14 =	rddreg [dreg:$0x9];
	[sflag:s29] =	ssyncadd.s32 $0xFFFFC000  }
0x9e: {  	[hbm4b:s14+s11] =	stream.linear.scatter [tilespmem:s24], [sflag:$0x4], $0x4000, $0x38;
	[tilespmem:$0x18400] =	vst v63  }
0x9f: {  	_ =	swait.ge [sflag:s30], $0x4000  }
0xa0: {  	[sflag:s30] =	ssyncset.done $0x0  }
0xa1: {  	s15 =	simm.s32 $0x180;
	[sflag:s30] =	ssyncadd.s32 $0xFFFFC000  }
0xa2: {  	[tilespmem:s24], [sflag:$0x2] =	stream.indirect.gather [hbm4b:s10+s4], $0x80, s15, s4, $0xb8;
	[tilespmem:$0x18400] =	vst v63  }
0xa3: {  	_ =	swait.ge [sflag:s25], $0x4000  }
0xa4: {  	[sflag:s25] =	ssyncset.done $0x0  }
0xa5: {  	s16 =	rddreg [dreg:$0xa];
	[sflag:s25] =	ssyncadd.s32 $0xFFFFC000  }
0xa6: {  	[hbm4b:s16+s11] =	stream.linear.scatter [tilespmem:s23], [sflag:$0x3], $0x4000, $0x38;
	[tilespmem:$0x18400] =	vst v63  }
0xa7: {  	_ =	swait.ge [sflag:s26], $0x4000  }
0xa8: {  	[sflag:s26] =	ssyncset.done $0x0  }
0xa9: {  	[sflag:s26] =	ssyncadd.s32 $0xFFFFC000  }
0xaa: {  	s31 =	simm.s32 $0x200;
	s18 =	simm.s32 $0x5;
	s17 =	rddreg [dreg:$0x3]  }
0xab: {  	[tilespmem:s23], [sflag:$0x1] =	stream.indirect.gather [hbm4b:s17+s4], $0x80, s31, s4, $0xb8;
	[tilespmem:$0x18400] =	vst v63  }
0xac: {  	_ =	swait.ge [sflag:s18], $0x10000  }
0xad: {  	[sflag:s18] =	ssyncset.done $0x0  }
0xae: {  	s22 =	simm.s32 $0x8400;
	s19 =	rddreg [dreg:$0xb];
	[sflag:s18] =	ssyncadd.s32 $0xFFFF0000  }
0xaf: {  	[hbm4b:s19+s11] =	stream.linear.scatter [tilespmem:s22], [sflag:$0x6], $0x10000, $0x38;
	[tilespmem:$0x18400] =	vst v63  }
0xb0: {  	_ =	swait.ge [sflag:s20], $0x10000  }
0xb1: {  	[sflag:s20] =	ssyncset.done $0x0  }
0xb2: {  	[sflag:s20] =	ssyncadd.s32 $0xFFFF0000  }
0xb3: {  	v0 =	vld [tilespmem:s31+$0x0];
	_ =	sdelay $0x4  }
0xb4: {  	v0 =	vshll.u32 v0, $0x4  }
0xb5: {  	(v2sf) =	vpush v0, $0x0  }
0xb6: {  	(v2sf) =	vpush v0, $0x1  }
0xb7: {  	(v2sf) =	vpush v0, $0x2;
	_ =	sdelay $0x1  }
0xb8: {  	(v2sf) =	vpush v0, $0x4;
	_ =	sdelay $0x1  }
0xb9: {  	(v2sf) =	vpush v0, $0x3  }
0xba: {  	(v2sf) =	vpush v0, $0x5  }
0xbb: {  	s28 =	simm.s32 $0x0;
	s7 =	simm.s32 $0x2000;
	(v2sf) =	vpush v0, $0x6  }
.LBB2_4:
0xbc: {  	p0 =	sne.s32 s7, $0x3E000  }
0xbd: {  	s0 =	sadd.s32 $0x8480, s28;
	s11 =	sadd.s32 $0x8980, s28;
	s8 =	smov.u32 s7  }
0xbe: {  	s7 =	sadd.s32 $0x2000, s7;
	s14 =	sadd.s32 $0x8780, s28;
	s9 =	sadd.s32 $0x8A00, s28;
	(v2sf) =	vpush v0, $0x7  }
0xbf: {  	s16 =	sadd.s32 $0x8680, s28;
	s13 =	sadd.s32 $0x8800, s28;
	s10 =	sadd.s32 $0x8A80, s28  }
0xc0: {  	s1 =	sadd.s32 $0x8400, s28;
	s2 =	sadd.s32 $0x8600, s28;
	(v2sf) =	vpush v0, $0x8  }
0xc1: {  	s4 =	sadd.s32 $0x8700, s28;
	s31 =	sadd.s32 $0x10, s31  }
0xc2: {  	s17 =	sadd.s32 $0x8500, s28;
	s12 =	sadd.s32 $0x8900, s28;
	s15 =	spop (v2sf);
	(v2sf) =	vpush v0, $0x9  }
0xc3: {  	s18 =	sand.u32 $0x1FFFFFF0, s15;
	s15 =	sadd.s32 $0x8880, s28;
	s19 =	spop (v2sf)  }
0xc4: {  	s18 =	sadd.s32 s6, s18;
	s19 =	sand.u32 $0x1FFFFFF0, s19;
	s22 =	spop (v2sf);
	(v2sf) =	vpush v0, $0xA  }
0xc5: {  	[tilespmem:s1], [sflag:$0x5] =	stream.linear.gather [hbm4b:s18+s3], $0x80, $0x38;
	[tilespmem:$0x18400] =	vst v63  }
0xc6: {  	s1 =	sadd.s32 s6, s19;
	s18 =	sadd.s32 $0x8580, s28;
	s19 =	spop (v2sf);
	(v2sf) =	vpush v0, $0xB  }
0xc7: {  	[tilespmem:s0], [sflag:$0x5] =	stream.linear.gather [hbm4b:s1+s3], $0x80, $0x38;
	[tilespmem:$0x18400] =	vst v63  }
0xc8: {  	s0 =	sand.u32 $0x1FFFFFF0, s22;
	s1 =	sand.u32 $0x1FFFFFF0, s19;
	s19 =	spop (v2sf);
	(v2sf) =	vpush v0, $0xC  }
0xc9: {  	s0 =	sadd.s32 s6, s0;
	s19 =	sand.u32 $0x1FFFFFF0, s19;
	s22 =	spop (v2sf)  }
0xca: {  	[tilespmem:s17], [sflag:$0x5] =	stream.linear.gather [hbm4b:s0+s3], $0x80, $0x38;
	(v2sf) =	vpush v0, $0xD;
	[tilespmem:$0x18400] =	vst v63  }
0xcb: {  	s0 =	sadd.s32 s6, s19;
	s17 =	sand.u32 $0x1FFFFFF0, s22;
	s19 =	spop (v2sf)  }
0xcc: {  	[tilespmem:s18], [sflag:$0x5] =	stream.linear.gather [hbm4b:s0+s3], $0x80, $0x38;
	(v2sf) =	vpush v0, $0xE;
	[tilespmem:$0x18400] =	vst v63  }
0xcd: {  	s0 =	sadd.s32 s6, s1;
	s1 =	sand.u32 $0x1FFFFFF0, s19;
	s18 =	spop (v2sf)  }
0xce: {  	[tilespmem:s2], [sflag:$0x5] =	stream.linear.gather [hbm4b:s0+s3], $0x80, $0x38;
	(v2sf) =	vpush v0, $0xF;
	[tilespmem:$0x18400] =	vst v63  }
0xcf: {  	s0 =	sadd.s32 s6, s17;
	s2 =	sand.u32 $0x1FFFFFF0, s18;
	s17 =	spop (v2sf)  }
0xd0: {  	[tilespmem:s16], [sflag:$0x5] =	stream.linear.gather [hbm4b:s0+s3], $0x80, $0x38;
	[tilespmem:$0x18400] =	vst v63  }
0xd1: {  	s0 =	sadd.s32 s6, s1;
	s1 =	sand.u32 $0x1FFFFFF0, s17;
	s16 =	spop (v2sf)  }
0xd2: {  	[tilespmem:s4], [sflag:$0x5] =	stream.linear.gather [hbm4b:s0+s3], $0x80, $0x38;
	[tilespmem:$0x18400] =	vst v63  }
0xd3: {  	s0 =	sadd.s32 s6, s2;
	s2 =	sand.u32 $0x1FFFFFF0, s16;
	s4 =	spop (v2sf)  }
0xd4: {  	[tilespmem:s14], [sflag:$0x5] =	stream.linear.gather [hbm4b:s0+s3], $0x80, $0x38;
	[tilespmem:$0x18400] =	vst v63  }
0xd5: {  	s0 =	sadd.s32 s6, s1;
	s1 =	sand.u32 $0x1FFFFFF0, s4;
	s4 =	spop (v2sf)  }
0xd6: {  	[tilespmem:s13], [sflag:$0x5] =	stream.linear.gather [hbm4b:s0+s3], $0x80, $0x38;
	[tilespmem:$0x18400] =	vst v63  }
0xd7: {  	s0 =	sadd.s32 s6, s2;
	s2 =	sand.u32 $0x1FFFFFF0, s4;
	s4 =	spop (v2sf)  }
0xd8: {  	[tilespmem:s15], [sflag:$0x5] =	stream.linear.gather [hbm4b:s0+s3], $0x80, $0x38;
	[tilespmem:$0x18400] =	vst v63  }
0xd9: {  	s0 =	sadd.s32 s6, s1;
	s1 =	sand.u32 $0x1FFFFFF0, s4;
	s4 =	spop (v2sf)  }
0xda: {  	[tilespmem:s12], [sflag:$0x5] =	stream.linear.gather [hbm4b:s0+s3], $0x80, $0x38;
	[tilespmem:$0x18400] =	vst v63  }
0xdb: {  	s0 =	sadd.s32 s6, s2;
	s2 =	sand.u32 $0x1FFFFFF0, s4;
	s4 =	spop (v2sf)  }
0xdc: {  	[tilespmem:s11], [sflag:$0x5] =	stream.linear.gather [hbm4b:s0+s3], $0x80, $0x38;
	[tilespmem:$0x18400] =	vst v63  }
0xdd: {  	s0 =	sadd.s32 s6, s1;
	s1 =	sand.u32 $0x1FFFFFF0, s4;
	s4 =	spop (v2sf)  }
0xde: {  	[tilespmem:s9], [sflag:$0x5] =	stream.linear.gather [hbm4b:s0+s3], $0x80, $0x38;
	[tilespmem:$0x18400] =	vst v63  }
0xdf: {  	s0 =	sadd.s32 s6, s2;
	s2 =	sand.u32 $0x1FFFFFF0, s4  }
0xe0: {  	[tilespmem:s10], [sflag:$0x5] =	stream.linear.gather [hbm4b:s0+s3], $0x80, $0x38;
	[tilespmem:$0x18400] =	vst v63  }
0xe1: {  	s1 =	sadd.s32 s6, s1;
	s0 =	sadd.s32 $0x8B00, s28  }
0xe2: {  	[tilespmem:s0], [sflag:$0x5] =	stream.linear.gather [hbm4b:s1+s3], $0x80, $0x38;
	[tilespmem:$0x18400] =	vst v63  }
0xe3: {  	s0 =	sadd.s32 $0x8B80, s28;
	s1 =	sadd.s32 s6, s2  }
0xe4: {  	[tilespmem:s0], [sflag:$0x5] =	stream.linear.gather [hbm4b:s1+s3], $0x80, $0x38;
	[tilespmem:$0x18400] =	vst v63  }
0xe5: {  	v0 =	vld [tilespmem:s31+$0x0];
	_ =	sdelay $0x4  }
0xe6: {  	v0 =	vshll.u32 v0, $0x4  }
0xe7: {  	(v2sf) =	vpush v0, $0x0  }
0xe8: {  	(v2sf) =	vpush v0, $0x1  }
0xe9: {  	(v2sf) =	vpush v0, $0x2;
	_ =	sdelay $0x1  }
0xea: {  	(v2sf) =	vpush v0, $0x4  }
.Ltmp1:
0xeb: {  	(pc) =	sbr.rel @p0 .LBB2_4-.Ltmp1, $3  }
0xec: {  	(v2sf) =	vpush v0, $0x3  }
0xed: {  	(v2sf) =	vpush v0, $0x5;
	_ =	sdelay $0x1  }
0xee: {  	s28 =	sshra.s32 s8, $0x2;
	(v2sf) =	vpush v0, $0x6  }
0xef: {  	_ =	sdelay $0x5  }
0xf0: {  	s0 =	spop (v2sf)  }
0xf1: {  	s1 =	spop (v2sf)  }
0xf2: {  	s16 =	spop (v2sf)  }
0xf3: {  	s19 =	spop (v2sf);
	(v2sf) =	vpush v0, $0x7  }
0xf4: {  	s0 =	sand.u32 $0x1FFFFFF0, s0  }
0xf5: {  	s2 =	sadd.s32 $0x8400, s28;
	s0 =	sadd.s32 s6, s0  }
0xf6: {  	[tilespmem:s2], [sflag:$0x5] =	stream.linear.gather [hbm4b:s0+s3], $0x80, $0x38;
	[tilespmem:$0x18400] =	vst v63  }
0xf7: {  	s1 =	sand.u32 $0x1FFFFFF0, s1;
	s22 =	spop (v2sf);
	(v2sf) =	vpush v0, $0x8  }
0xf8: {  	s15 =	sadd.s32 $0x8480, s28;
	s1 =	sadd.s32 s6, s1  }
0xf9: {  	[tilespmem:s15], [sflag:$0x5] =	stream.linear.gather [hbm4b:s1+s3], $0x80, $0x38;
	[tilespmem:$0x18400] =	vst v63  }
0xfa: {  	s17 =	sand.u32 $0x1FFFFFF0, s16;
	s4 =	spop (v2sf);
	(v2sf) =	vpush v0, $0x9  }
0xfb: {  	s18 =	sadd.s32 $0x8500, s28;
	s0 =	sadd.s32 s6, s17  }
0xfc: {  	[tilespmem:s18], [sflag:$0x5] =	stream.linear.gather [hbm4b:s0+s3], $0x80, $0x38;
	[tilespmem:$0x18400] =	vst v63  }
0xfd: {  	s0 =	sand.u32 $0x1FFFFFF0, s22;
	s8 =	spop (v2sf);
	(v2sf) =	vpush v0, $0xA  }
0xfe: {  	s31 =	sadd.s32 $0x8580, s28;
	s1 =	sand.u32 $0x1FFFFFF0, s19;
	s0 =	sadd.s32 s6, s0  }
0xff: {  	[tilespmem:s31], [sflag:$0x5] =	stream.linear.gather [hbm4b:s0+s3], $0x80, $0x38;
	[tilespmem:$0x18400] =	vst v63  }
0x100: {  	s2 =	sadd.s32 $0x8600, s28;
	s0 =	sadd.s32 s6, s1  }
0x101: {  	[tilespmem:s2], [sflag:$0x5] =	stream.linear.gather [hbm4b:s0+s3], $0x80, $0x38;
	[tilespmem:$0x18400] =	vst v63  }
0x102: {  	s0 =	sand.u32 $0x1FFFFFF0, s4;
	s10 =	spop (v2sf);
	(v2sf) =	vpush v0, $0xB  }
0x103: {  	s7 =	sadd.s32 $0x8680, s28;
	s0 =	sadd.s32 s6, s0  }
0x104: {  	[tilespmem:s7], [sflag:$0x5] =	stream.linear.gather [hbm4b:s0+s3], $0x80, $0x38;
	[tilespmem:$0x18400] =	vst v63  }
0x105: {  	s0 =	sand.u32 $0x1FFFFFF0, s8  }
0x106: {  	s9 =	sadd.s32 $0x8700, s28;
	s0 =	sadd.s32 s6, s0;
	s12 =	spop (v2sf);
	(v2sf) =	vpush v0, $0xC  }
0x107: {  	[tilespmem:s9], [sflag:$0x5] =	stream.linear.gather [hbm4b:s0+s3], $0x80, $0x38;
	[tilespmem:$0x18400] =	vst v63  }
0x108: {  	s0 =	sand.u32 $0x1FFFFFF0, s10  }
0x109: {  	s11 =	sadd.s32 $0x8780, s28;
	s0 =	sadd.s32 s6, s0;
	s14 =	spop (v2sf);
	(v2sf) =	vpush v0, $0xD  }
0x10a: {  	[tilespmem:s11], [sflag:$0x5] =	stream.linear.gather [hbm4b:s0+s3], $0x80, $0x38;
	[tilespmem:$0x18400] =	vst v63  }
0x10b: {  	s0 =	sand.u32 $0x1FFFFFF0, s12  }
0x10c: {  	s13 =	sadd.s32 $0x8800, s28;
	s0 =	sadd.s32 s6, s0;
	s16 =	spop (v2sf);
	(v2sf) =	vpush v0, $0xE  }
0x10d: {  	[tilespmem:s13], [sflag:$0x5] =	stream.linear.gather [hbm4b:s0+s3], $0x80, $0x38;
	[tilespmem:$0x18400] =	vst v63  }
0x10e: {  	s0 =	sand.u32 $0x1FFFFFF0, s14  }
0x10f: {  	s15 =	sadd.s32 $0x8880, s28;
	s0 =	sadd.s32 s6, s0  }
0x110: {  	[tilespmem:s15], [sflag:$0x5] =	stream.linear.gather [hbm4b:s0+s3], $0x80, $0x38;
	[tilespmem:$0x18400] =	vst v63  }
0x111: {  	s0 =	sand.u32 $0x1FFFFFF0, s16;
	s18 =	spop (v2sf);
	(v2sf) =	vpush v0, $0xF  }
0x112: {  	s17 =	sadd.s32 $0x8900, s28;
	s0 =	sadd.s32 s6, s0  }
0x113: {  	[tilespmem:s17], [sflag:$0x5] =	stream.linear.gather [hbm4b:s0+s3], $0x80, $0x38;
	[tilespmem:$0x18400] =	vst v63  }
0x114: {  	s0 =	sand.u32 $0x1FFFFFF0, s18  }
0x115: {  	s19 =	sadd.s32 $0x8980, s28;
	s0 =	sadd.s32 s6, s0;
	s22 =	spop (v2sf)  }
0x116: {  	[tilespmem:s19], [sflag:$0x5] =	stream.linear.gather [hbm4b:s0+s3], $0x80, $0x38;
	[tilespmem:$0x18400] =	vst v63  }
0x117: {  	s0 =	sand.u32 $0x1FFFFFF0, s22  }
0x118: {  	s31 =	sadd.s32 $0x8A00, s28;
	s1 =	spop (v2sf);
	s0 =	sadd.s32 s6, s0  }
0x119: {  	[tilespmem:s31], [sflag:$0x5] =	stream.linear.gather [hbm4b:s0+s3], $0x80, $0x38;
	[tilespmem:$0x18400] =	vst v63  }
0x11a: {  	s0 =	sand.u32 $0x1FFFFFF0, s1  }
0x11b: {  	s2 =	sadd.s32 $0x8A80, s28;
	s4 =	spop (v2sf);
	s0 =	sadd.s32 s6, s0  }
0x11c: {  	[tilespmem:s2], [sflag:$0x5] =	stream.linear.gather [hbm4b:s0+s3], $0x80, $0x38;
	[tilespmem:$0x18400] =	vst v63  }
0x11d: {  	s0 =	sand.u32 $0x1FFFFFF0, s4  }
0x11e: {  	s7 =	sadd.s32 $0x8B00, s28;
	s0 =	sadd.s32 s6, s0  }
0x11f: {  	[tilespmem:s7], [sflag:$0x5] =	stream.linear.gather [hbm4b:s0+s3], $0x80, $0x38;
	[tilespmem:$0x18400] =	vst v63  }
0x120: {  	s8 =	spop (v2sf)  }
0x121: {  	s0 =	sand.u32 $0x1FFFFFF0, s8  }
0x122: {  	s9 =	sadd.s32 $0x8B80, s28;
	s0 =	sadd.s32 s6, s0  }
0x123: {  	[tilespmem:s9], [sflag:$0x5] =	stream.linear.gather [hbm4b:s0+s3], $0x80, $0x38;
	[tilespmem:$0x18400] =	vst v63  }
0x124: {  	_ =	swait.ge [sflag:s29], $0x4000  }
0x125: {  	[sflag:s29] =	ssyncset.done $0x0  }
0x126: {  	s10 =	rddreg [dreg:$0xc];
	[sflag:s29] =	ssyncadd.s32 $0xFFFFC000  }
0x127: {  	[hbm4b:s10+s3] =	stream.linear.scatter [tilespmem:s24], [sflag:$0x4], $0x4000, $0x38;
	[tilespmem:$0x18400] =	vst v63  }
0x128: {  	_ =	swait.ge [sflag:s30], $0x4000  }
0x129: {  	[sflag:s30] =	ssyncset.done $0x0  }
0x12a: {  	[sflag:s30] =	ssyncadd.s32 $0xFFFFC000  }
0x12b: {  	s12 =	simm.s32 $0x280;
	s2 =	simm.s32 $0x80;
	s11 =	rddreg [dreg:$0x3]  }
0x12c: {  	[tilespmem:s24], [sflag:$0x2] =	stream.indirect.gather [hbm4b:s11+s2], $0x80, s12, s2, $0xb8;
	[tilespmem:$0x18400] =	vst v63  }
0x12d: {  	_ =	swait.ge [sflag:s25], $0x4000  }
0x12e: {  	[sflag:s25] =	ssyncset.done $0x0  }
0x12f: {  	s13 =	rddreg [dreg:$0xd];
	[sflag:s25] =	ssyncadd.s32 $0xFFFFC000  }
0x130: {  	[hbm4b:s13+s3] =	stream.linear.scatter [tilespmem:s23], [sflag:$0x3], $0x4000, $0x38;
	[tilespmem:$0x18400] =	vst v63  }
0x131: {  	_ =	swait.ge [sflag:s26], $0x4000  }
0x132: {  	[sflag:s26] =	ssyncset.done $0x0  }
0x133: {  	s14 =	simm.s32 $0x300;
	[sflag:s26] =	ssyncadd.s32 $0xFFFFC000  }
0x134: {  	[tilespmem:s23], [sflag:$0x1] =	stream.indirect.gather [hbm4b:s11+s2], $0x80, s14, s2, $0xb8;
	[tilespmem:$0x18400] =	vst v63  }
0x135: {  	_ =	swait.ge [sflag:s29], $0x4000  }
0x136: {  	[sflag:s29] =	ssyncset.done $0x0  }
0x137: {  	s15 =	rddreg [dreg:$0xe];
	[sflag:s29] =	ssyncadd.s32 $0xFFFFC000  }
0x138: {  	[hbm4b:s15+s3] =	stream.linear.scatter [tilespmem:s24], [sflag:$0x4], $0x4000, $0x38;
	[tilespmem:$0x18400] =	vst v63  }
0x139: {  	_ =	swait.ge [sflag:s30], $0x4000  }
0x13a: {  	[sflag:s30] =	ssyncset.done $0x0  }
0x13b: {  	s16 =	simm.s32 $0x380;
	[sflag:s30] =	ssyncadd.s32 $0xFFFFC000  }
0x13c: {  	[tilespmem:s24], [sflag:$0x2] =	stream.indirect.gather [hbm4b:s11+s2], $0x80, s16, s2, $0xb8;
	[tilespmem:$0x18400] =	vst v63  }
0x13d: {  	_ =	swait.ge [sflag:s25], $0x4000  }
0x13e: {  	[sflag:s25] =	ssyncset.done $0x0  }
0x13f: {  	s17 =	rddreg [dreg:$0xf];
	[sflag:s25] =	ssyncadd.s32 $0xFFFFC000  }
0x140: {  	[hbm4b:s17+s3] =	stream.linear.scatter [tilespmem:s23], [sflag:$0x3], $0x4000, $0x38;
	[tilespmem:$0x18400] =	vst v63  }
0x141: {  	_ =	swait.ge [sflag:s29], $0x4000  }
0x142: {  	[sflag:s29] =	ssyncset.done $0x0  }
0x143: {  	s18 =	rddreg [dreg:$0x10];
	[sflag:s29] =	ssyncadd.s32 $0xFFFFC000  }
0x144: {  	[hbm4b:s18+s3] =	stream.linear.scatter [tilespmem:s24], [sflag:$0x6], $0x4000, $0x38;
	[tilespmem:$0x18400] =	vst v63  }
0x145: {  	_ =	swait.ge [sflag:s20], $0x4000  }
0x146: {  	[sflag:s20] =	ssyncset.done $0x0  }
0x147: {  	[sflag:s20] =	ssyncadd.s32 $0xFFFFC000  }
0x148: {  	_ =	swait.ge [sflag:s26], $0x4000  }
0x149: {  	[sflag:s26] =	ssyncset.done $0x0  }
0x14a: {  	s19 =	simm.s32 $0x5;
	[sflag:s26] =	ssyncadd.s32 $0xFFFFC000  }
0x14b: {  	_ =	swait.ge [sflag:s19], $0x10000  }
0x14c: {  	[sflag:s19] =	ssyncset.done $0x0  }
0x14d: {  	s28 =	simm.s32 $0x8400;
	s22 =	rddreg [dreg:$0x11];
	[sflag:s19] =	ssyncadd.s32 $0xFFFF0000  }
0x14e: {  	[hbm4b:s22+s3] =	stream.linear.scatter [tilespmem:s28], [sflag:$0x6], $0x10000, $0x38;
	[tilespmem:$0x18400] =	vst v63  }
0x14f: {  	_ =	swait.ge [sflag:s20], $0x10000  }
0x150: {  	s21 =	sadd.s32 $0x1, s21;
	s31 =	rddreg [dreg:$0x12]  }
0x151: {  	p0 =	sne.s32 s21, s31  }
.Ltmp2:
0x152: {  	_ = 	snop;
	(pc) =	sbr.rel @p0 .LBB2_1-.Ltmp2, $3  }
0x153: {  	_ =	sdelay $0x1  }
0x154: {  	[sflag:s20] =	ssyncset.done $0x0  }
0x155: {  	[sflag:s20] =	ssyncadd.s32 $0xFFFF0000  }
0x156: {  	_ =	sfence.sel $0x180000  }
0x157: {  	[bflag:$0x0] =	sbarrier.arrive $0xFFFF  }
0x158: {  	_ =	strace $0x90000047  }
0x159: {  	s0 =	stileid.u32;
	[bflag:$0x2] =	sbarrier.arrive $0xFFFF  }
0x15a: {  	p0 =	sne.s32 s0, $0x0;
	s0 =	rddreg [dreg:$0x5]  }
0x15b: {  	s0 =	sadd.s32 @!p0 $0x100000, s0  }
0x15c: {  	[sflag:s0] =	ssyncadd.tile.s32 @!p0 $0x1;
	_ =	shalt  }
.Lfunc_end2:
_tile_overlayer_lowered:
.L_overlay_start_2:
0x15d: {  	(tag) =	ssettag $0x2  }
0x15e: {  	s0 =	rddreg [dreg:$0x0];
	s2 =	stileid.u32  }
0x15f: {  	s1 =	rddreg [dreg:$0x1];
	p0 =	sne.s32 s2, $0x0  }
0x160: {  	s3 =	rddreg [dreg:$0x2];
	[bflag:$0x3] =	sbarrier.arrive $0xFFFF;
	s2 =	simm.s32 @!p0 $0x1C06  }
0x161: {  	[timem:s3], [sflag:s2] =	dma.local @!p0 [hbm:s0], s1  }
0x162: {  	s0 =	simm.s32 @!p0 $0x6  }
0x163: {  	_ =	swait.ge @!p0 [sflag:s0], s1  }
0x164: {  	s1 =	ssub.s32 @!p0 $0x0, s1;
	[sflag:s0] =	ssyncset.done @!p0 $0x0  }
0x165: {  	[sflag:s0] =	ssyncadd.s32 @!p0 s1  }
0x166: {  	[bflag:$0x3] =	sbarrier.arrive $0xFFFF  }
0x167: {  	_ =	shalt  }

</sc_bundles>
